<compile_context>
chip_gen: v7x
topology: tpu7x:2x2x1
jax: 0.10.2.dev20260603
libtpu: 0.0.44.dev20260713+nightly
codegen_flags: <defaults>
</compile_context>

<pallas_src>
import functools

import jax
import jax.numpy as jnp
from jax import lax
from jax.experimental import pallas as pl
from jax.experimental.pallas import tpu as pltpu
from jax.experimental.pallas import tpu_sc as plsc

_V = 1000
_EMB = 128
_LANES = 16
_CHUNKS = _EMB // _LANES
_DEPTH = 11
_LN2 = 0.6931471805599453


def _xlane_take(vec, idx):
    dnums = lax.GatherDimensionNumbers(
        offset_dims=(), collapsed_slice_dims=(0,), start_index_map=(0,))
    return lax.gather(vec, idx[:, None], dnums, (1,),
                      mode=lax.GatherScatterMode.PROMISE_IN_BOUNDS)


def _log_1to2(y):
    yi = lax.bitcast_convert_type(y, jnp.int32)
    e = (lax.shift_right_logical(yi, 23) - 127).astype(jnp.float32)
    m = lax.bitcast_convert_type((yi & 0x007FFFFF) | 0x3F800000, jnp.float32)
    z = (m - 1.0) / (m + 1.0)
    z2 = z * z
    logm = 2.0 * z * (1.0 + z2 * (1.0 / 3.0 + z2 * (0.2 + z2 * (1.0 / 7.0 + z2 / 9.0))))
    return e * _LN2 + logm


@functools.partial(
    pl.kernel,
    out_type=jax.ShapeDtypeStruct((1,), jnp.float32),
    mesh=plsc.VectorSubcoreMesh(core_axis_name="c", subcore_axis_name="s",
                                num_cores=1, num_subcores=1),
    scratch_types=[
        pltpu.VMEM((_LANES,), jnp.int32),
        pltpu.VMEM((_LANES,), jnp.int32),
        pltpu.VMEM((_LANES, _EMB), jnp.float32),
        pltpu.VMEM((8, _EMB), jnp.float32),
        pltpu.VMEM((_LANES,), jnp.float32),
        pltpu.SemaphoreType.DMA,
    ],
)
def _hsoftmax_loss(uv_hbm, emb_hbm, hs_hbm, out_hbm,
                   uv_v, idx_v, rows_v, vrows_v, out_v, sem):
    pltpu.sync_copy(uv_hbm, uv_v)
    cp_vemb = pltpu.async_copy(emb_hbm.at[uv_v.at[pl.ds(0, 8)]], vrows_v, sem)

    lane = lax.iota(jnp.int32, _LANES)
    uvec = uv_v[...]
    m0 = _xlane_take(uvec, lane & 0) + _V
    before_m = lax.shift_right_logical(m0, lane)
    before_node = before_m - 1
    valid = before_node > 0
    bits = (before_node & 1).astype(jnp.float32)
    parent = jnp.where(valid, lax.shift_right_logical(before_m, 1) - 1, 0)
    idx_v[...] = parent

    cp_rows = pltpu.async_copy(hs_hbm.at[idx_v], rows_v, sem)
    cp_vemb.wait()
    cp_rows.wait()

    vemb_c = [vrows_v[1, pl.ds(c * _LANES, _LANES)] for c in range(_CHUNKS)]
    sims = jnp.zeros((_LANES,), jnp.float32)
    for kk in range(_DEPTH):
        acc = rows_v[kk, pl.ds(0, _LANES)] * vemb_c[0]
        for c in range(1, _CHUNKS):
            acc += rows_v[kk, pl.ds(c * _LANES, _LANES)] * vemb_c[c]
        for sh in (8, 4, 2, 1):
            acc = acc + _xlane_take(acc, lane ^ sh)
        sims = jnp.where(lane == kk, acc, sims)

    x = (1.0 - 2.0 * bits) * sims
    y = 1.0 + jnp.exp(-jnp.abs(x))
    softplus = jnp.maximum(x, 0.0) + _log_1to2(y)
    loss_vec = jnp.where(valid, softplus, 0.0)
    for sh in (8, 4, 2, 1):
        loss_vec = loss_vec + _xlane_take(loss_vec, lane ^ sh)

    out_v[...] = loss_vec
    pltpu.sync_copy(out_v.at[pl.ds(0, 1)], out_hbm)


def kernel(u, v, embedding, hsoftmax):
    uv = jnp.zeros((_LANES,), jnp.int32)
    uv = uv.at[0].set(jnp.asarray(u, jnp.int32))
    uv = uv.at[1].set(jnp.asarray(v, jnp.int32))
    return _hsoftmax_loss(uv, embedding, hsoftmax).reshape(())

# --- scband reference (transcript-rebuilt; emitter-appended) ---
"""Pipeline reference for scband-deepwalk-model-17781164606023 (READ-ONLY COPY).

The authoritative reference and input builder live on the scoring server;
editing this copy changes nothing except your own understanding.
"""

import jax, jax.numpy as jnp
import numpy as np

V = 1000
EMB = 128
INNER = V - 1
LEAF_POS = np.arange(V, dtype=np.int64)

def _path(u):
    # Walk from leaf to root of the implicit binary tree, recording visited
    # inner nodes and whether we arrived as a left child (static given u).
    node = INNER + int(LEAF_POS[u])
    nodes = []
    bits = []
    while node:
        isLeft = node & 1
        if isLeft:
            node >>= 1
        else:
            node = (node - 1) >> 1
        nodes.append(node)
        bits.append(float(isLeft))
    return np.array(nodes, dtype=np.int64), np.array(bits, dtype=np.float32)

def setup_inputs(seed: int = 0):
    key = jax.random.key(seed)
    k1, k2 = jax.random.split(key)
    embedding = jax.random.normal(k1, (V, EMB), dtype=jnp.float32) * 0.1
    hsoftmax = jax.random.uniform(k2, (INNER, EMB), dtype=jnp.float32)
    return {"u": 777, "v": 123, "embedding": embedding, "hsoftmax": hsoftmax}

def reference(u, v, embedding, hsoftmax):
    # v_emb = embedding_layer(v)
    v_emb = jnp.take(embedding, v, axis=0)
    # Traced walk from leaf to root of the implicit binary tree; the depth is
    # statically bounded by the bit length of the largest node id (2V - 2).
    max_depth = (2 * V - 2).bit_length()
    node0 = INNER + jnp.asarray(u, dtype=jnp.int32)

    def step(node, _):
        valid = node != 0
        isLeft = node & 1
        parent = jnp.where(isLeft == 1, node >> 1, (node - 1) >> 1)
        parent = jnp.where(valid, parent, 0)
        return parent, (parent, isLeft.astype(jnp.float32), valid)

    _, (nodes, bits, valids) = jax.lax.scan(step, node0, None, length=max_depth)
    # gather all inner-node embeddings along the root path
    node_embs = jnp.take(hsoftmax, nodes, axis=0)
    # similarity(node_emb, v_emb) == dot product
    sims = node_embs @ v_emb
    p = jax.nn.sigmoid(sims)
    # loss -= log(sigmoid) if left child else log(1 - sigmoid)
    mask = valids.astype(jnp.float32)
    loss = -jnp.sum(mask * (bits * jnp.log(p) + (1.0 - bits) * jnp.log(1.0 - p)))
    return loss

if __name__ == "__main__":
    import jax
    _d = setup_inputs()
    print(jax.jit(kernel)(*tuple(_d.values())))

</pallas_src>

<mosaic_0001>
#map = affine_map<(d0, d1) -> (0)>
#map1 = affine_map<(d0, d1) -> (0, 0)>
module attributes {stable_mosaic.version = 14 : i64} {
  func.func @_hsoftmax_loss(%arg0: i32, %arg1: i32, %arg2: memref<16xi32, #tpu.memory_space<hbm>>, %arg3: memref<1000x128xf32, #tpu.memory_space<hbm>>, %arg4: memref<999x128xf32, #tpu.memory_space<hbm>>, %arg5: memref<1xf32, #tpu.memory_space<hbm>>, %arg6: memref<16xi32, #tpu.memory_space<vmem>>, %arg7: memref<16xi32, #tpu.memory_space<vmem>>, %arg8: memref<16x128xf32, #tpu.memory_space<vmem>>, %arg9: memref<8x128xf32, #tpu.memory_space<vmem>>, %arg10: memref<16xf32, #tpu.memory_space<vmem>>, %arg11: memref<!tpu.dma_semaphore, #tpu.memory_space<semaphore_mem>>) attributes {dimension_semantics = [#tpu.dimension_semantics<core_parallel>, #tpu.dimension_semantics<subcore_parallel>], iteration_bounds = array<i64: 1, 1>, scalar_prefetch = 0 : i64, scratch_operands = 6 : i64, tpu.core_type = #tpu.core_type<sc_vector_subcore>, window_params = [{transform_indices = #map}, {transform_indices = #map1}, {transform_indices = #map1}, {transform_indices = #map}]} {
    "tpu.region"() ({
      %run_scoped3A = tpu.sem_alloc : memref<!tpu.dma_semaphore, #tpu.memory_space<semaphore_mem>>
      tpu.enqueue_dma source(%arg2 : memref<16xi32, #tpu.memory_space<hbm>>) target(%arg6 : memref<16xi32, #tpu.memory_space<vmem>>) target_semaphore(%run_scoped3A : memref<!tpu.dma_semaphore, #tpu.memory_space<semaphore_mem>>)
      tpu.wait_dma2 semaphore(%run_scoped3A : memref<!tpu.dma_semaphore, #tpu.memory_space<semaphore_mem>>) src(%arg2 : memref<16xi32, #tpu.memory_space<hbm>>) dst(%arg6 : memref<16xi32, #tpu.memory_space<vmem>>)
      tpu.yield
    }) : () -> ()
    %dma_start3A = arith.constant 0 : i32
    %dma_start3A_0 = tpu.memref_slice %arg6[%dma_start3A] : memref<16xi32, #tpu.memory_space<vmem>> -> memref<8xi32, #tpu.memory_space<vmem>>
    %dma_start3A_1 = arith.constant 0 : i32
    %dma_start3A_2 = arith.constant 0 : i32
    %dma_start3A_3 = tpu.memref_slice %arg3[%dma_start3A_1, %dma_start3A_2] : memref<1000x128xf32, #tpu.memory_space<hbm>> -> memref<1000x128xf32, #tpu.memory_space<hbm>>
    tpu.enqueue_indirect_dma source(%dma_start3A_3 : memref<1000x128xf32, #tpu.memory_space<hbm>>) target(%arg9 : memref<8x128xf32, #tpu.memory_space<vmem>>) offsets(%dma_start3A_0 : memref<8xi32, #tpu.memory_space<vmem>>) semaphore(%arg11 : memref<!tpu.dma_semaphore, #tpu.memory_space<semaphore_mem>>)
    %iota3A = tpu.iota {dimensions = array<i32: 0>} : vector<16xi32>
    %get3A = arith.constant 0 : index
    %get3A_4 = tpu.vector_load %arg6[%get3A] {strides = array<i32>} : memref<16xi32, #tpu.memory_space<vmem>>, vector<16xi32>,
    %get3A_5 = vector.shape_cast %get3A_4 : vector<16xi32> to vector<16xi32>
    %and3A = arith.constant 0 : i32
    %and3A_6 = vector.broadcast %and3A : i32 to vector<16xi32>
    %and3A_7 = arith.andi %iota3A, %and3A_6 : vector<16xi32>
    %broadcast_in_dim3A = vector.shape_cast %and3A_7 : vector<16xi32> to vector<16x1xi32>
    %gather3A = vector.shape_cast %broadcast_in_dim3A : vector<16x1xi32> to vector<16xi32>
    %gather3A_8 = tpu.dynamic_gather %get3A_5[%gather3A] in [0] : vector<16xi32>, vector<16xi32> -> vector<16xi32>
    %add3A = arith.constant 1000 : i32
    %add3A_9 = vector.broadcast %add3A : i32 to vector<16xi32>
    %add3A_10 = arith.addi %gather3A_8, %add3A_9 : vector<16xi32>
    %shift_right_logical3A = arith.shrui %add3A_10, %iota3A : vector<16xi32>
    %sub3A = arith.constant 1 : i32
    %sub3A_11 = vector.broadcast %sub3A : i32 to vector<16xi32>
    %sub3A_12 = arith.subi %shift_right_logical3A, %sub3A_11 : vector<16xi32>
    %gt3A = arith.constant 0 : i32
    %gt3A_13 = vector.broadcast %gt3A : i32 to vector<16xi32>
    %gt3A_14 = arith.cmpi sgt, %sub3A_12, %gt3A_13 : vector<16xi32>
    %and3A_15 = arith.constant 1 : i32
    %and3A_16 = vector.broadcast %and3A_15 : i32 to vector<16xi32>
    %and3A_17 = arith.andi %sub3A_12, %and3A_16 : vector<16xi32>
    %convert_element_type3A = arith.sitofp %and3A_17 : vector<16xi32> to vector<16xf32>
    %shift_right_logical3A_18 = arith.constant 1 : i32
    %shift_right_logical3A_19 = vector.broadcast %shift_right_logical3A_18 : i32 to vector<16xi32>
    %shift_right_logical3A_20 = arith.shrui %shift_right_logical3A, %shift_right_logical3A_19 : vector<16xi32>
    %sub3A_21 = arith.constant 1 : i32
    %sub3A_22 = vector.broadcast %sub3A_21 : i32 to vector<16xi32>
    %sub3A_23 = arith.subi %shift_right_logical3A_20, %sub3A_22 : vector<16xi32>
    %jit3A = arith.constant 0 : i32
    %broadcast_in_dim3A_24 = vector.broadcast %jit3A : i32 to vector<16xi32>
    %select_n3A = arith.select %gt3A_14, %sub3A_23, %broadcast_in_dim3A_24 : vector<16xi1>, vector<16xi32>
    %swap3A = arith.constant 0 : index
    %swap3A_25 = tpu.vector_load %arg7[%swap3A] {strides = array<i32>} : memref<16xi32, #tpu.memory_space<vmem>>, vector<16xi32>,
    %swap3A_26 = vector.shape_cast %swap3A_25 : vector<16xi32> to vector<16xi32>
    %swap3A_27 = vector.shape_cast %select_n3A : vector<16xi32> to vector<16xi32>
    tpu.vector_store %arg7[%swap3A], %swap3A_27 {strides = array<i32>} : memref<16xi32, #tpu.memory_space<vmem>>, vector<16xi32>,
    %dma_start3A_28 = arith.constant 0 : i32
    %dma_start3A_29 = arith.constant 0 : i32
    %dma_start3A_30 = tpu.memref_slice %arg4[%dma_start3A_28, %dma_start3A_29] : memref<999x128xf32, #tpu.memory_space<hbm>> -> memref<999x128xf32, #tpu.memory_space<hbm>>
    tpu.enqueue_indirect_dma source(%dma_start3A_30 : memref<999x128xf32, #tpu.memory_space<hbm>>) target(%arg8 : memref<16x128xf32, #tpu.memory_space<vmem>>) offsets(%arg7 : memref<16xi32, #tpu.memory_space<vmem>>) semaphore(%arg11 : memref<!tpu.dma_semaphore, #tpu.memory_space<semaphore_mem>>)
    %dma_wait3A = arith.constant 0 : i32
    %dma_wait3A_31 = tpu.memref_slice %arg6[%dma_wait3A] : memref<16xi32, #tpu.memory_space<vmem>> -> memref<8xi32, #tpu.memory_space<vmem>>
    %dma_wait3A_32 = arith.constant 0 : i32
    %dma_wait3A_33 = arith.constant 0 : i32
    %dma_wait3A_34 = tpu.memref_slice %arg3[%dma_wait3A_32, %dma_wait3A_33] : memref<1000x128xf32, #tpu.memory_space<hbm>> -> memref<1000x128xf32, #tpu.memory_space<hbm>>
    tpu.wait_indirect_dma semaphore(%arg11 : memref<!tpu.dma_semaphore, #tpu.memory_space<semaphore_mem>>) src(%dma_wait3A_34 : memref<1000x128xf32, #tpu.memory_space<hbm>>) dst(%arg9 : memref<8x128xf32, #tpu.memory_space<vmem>>)
    %dma_wait3A_35 = arith.constant 0 : i32
    %dma_wait3A_36 = arith.constant 0 : i32
    %dma_wait3A_37 = tpu.memref_slice %arg4[%dma_wait3A_35, %dma_wait3A_36] : memref<999x128xf32, #tpu.memory_space<hbm>> -> memref<999x128xf32, #tpu.memory_space<hbm>>
    tpu.wait_indirect_dma semaphore(%arg11 : memref<!tpu.dma_semaphore, #tpu.memory_space<semaphore_mem>>) src(%dma_wait3A_37 : memref<999x128xf32, #tpu.memory_space<hbm>>) dst(%arg8 : memref<16x128xf32, #tpu.memory_space<vmem>>)
    %get3A_38 = arith.constant 1 : i32
    %get3A_39 = arith.index_cast %get3A_38 : i32 to index
    %get3A_40 = arith.constant 0 : index
    %get3A_41 = tpu.vector_load %arg9[%get3A_39, %get3A_40] {strides = array<i32>} : memref<8x128xf32, #tpu.memory_space<vmem>>, vector<1x16xf32>,
    %get3A_42 = vector.shape_cast %get3A_41 : vector<1x16xf32> to vector<16xf32>
    %get3A_43 = arith.constant 1 : i32
    %get3A_44 = arith.index_cast %get3A_43 : i32 to index
    %get3A_45 = arith.constant 16 : index
    %get3A_46 = tpu.vector_load %arg9[%get3A_44, %get3A_45] {strides = array<i32>} : memref<8x128xf32, #tpu.memory_space<vmem>>, vector<1x16xf32>,
    %get3A_47 = vector.shape_cast %get3A_46 : vector<1x16xf32> to vector<16xf32>
    %get3A_48 = arith.constant 1 : i32
    %get3A_49 = arith.index_cast %get3A_48 : i32 to index
    %get3A_50 = arith.constant 32 : index
    %get3A_51 = tpu.vector_load %arg9[%get3A_49, %get3A_50] {strides = array<i32>} : memref<8x128xf32, #tpu.memory_space<vmem>>, vector<1x16xf32>,
    %get3A_52 = vector.shape_cast %get3A_51 : vector<1x16xf32> to vector<16xf32>
    %get3A_53 = arith.constant 1 : i32
    %get3A_54 = arith.index_cast %get3A_53 : i32 to index
    %get3A_55 = arith.constant 48 : index
    %get3A_56 = tpu.vector_load %arg9[%get3A_54, %get3A_55] {strides = array<i32>} : memref<8x128xf32, #tpu.memory_space<vmem>>, vector<1x16xf32>,
    %get3A_57 = vector.shape_cast %get3A_56 : vector<1x16xf32> to vector<16xf32>
    %get3A_58 = arith.constant 1 : i32
    %get3A_59 = arith.index_cast %get3A_58 : i32 to index
    %get3A_60 = arith.constant 64 : index
    %get3A_61 = tpu.vector_load %arg9[%get3A_59, %get3A_60] {strides = array<i32>} : memref<8x128xf32, #tpu.memory_space<vmem>>, vector<1x16xf32>,
    %get3A_62 = vector.shape_cast %get3A_61 : vector<1x16xf32> to vector<16xf32>
    %get3A_63 = arith.constant 1 : i32
    %get3A_64 = arith.index_cast %get3A_63 : i32 to index
    %get3A_65 = arith.constant 80 : index
    %get3A_66 = tpu.vector_load %arg9[%get3A_64, %get3A_65] {strides = array<i32>} : memref<8x128xf32, #tpu.memory_space<vmem>>, vector<1x16xf32>,
    %get3A_67 = vector.shape_cast %get3A_66 : vector<1x16xf32> to vector<16xf32>
    %get3A_68 = arith.constant 1 : i32
    %get3A_69 = arith.index_cast %get3A_68 : i32 to index
    %get3A_70 = arith.constant 96 : index
    %get3A_71 = tpu.vector_load %arg9[%get3A_69, %get3A_70] {strides = array<i32>} : memref<8x128xf32, #tpu.memory_space<vmem>>, vector<1x16xf32>,
    %get3A_72 = vector.shape_cast %get3A_71 : vector<1x16xf32> to vector<16xf32>
    %get3A_73 = arith.constant 1 : i32
    %get3A_74 = arith.index_cast %get3A_73 : i32 to index
    %get3A_75 = arith.constant 112 : index
    %get3A_76 = tpu.vector_load %arg9[%get3A_74, %get3A_75] {strides = array<i32>} : memref<8x128xf32, #tpu.memory_space<vmem>>, vector<1x16xf32>,
    %get3A_77 = vector.shape_cast %get3A_76 : vector<1x16xf32> to vector<16xf32>
    %broadcast_in_dim3A_78 = arith.constant 0.000000e+00 : f32
    %broadcast_in_dim3A_79 = vector.broadcast %broadcast_in_dim3A_78 : f32 to vector<16xf32>
    %get3A_80 = arith.constant 0 : i32
    %get3A_81 = arith.index_cast %get3A_80 : i32 to index
    %get3A_82 = arith.constant 0 : index
    %get3A_83 = tpu.vector_load %arg8[%get3A_81, %get3A_82] {strides = array<i32>} : memref<16x128xf32, #tpu.memory_space<vmem>>, vector<1x16xf32>,
    %get3A_84 = vector.shape_cast %get3A_83 : vector<1x16xf32> to vector<16xf32>
    %mul3A = arith.mulf %get3A_84, %get3A_42 : vector<16xf32>
    %get3A_85 = arith.constant 0 : i32
    %get3A_86 = arith.index_cast %get3A_85 : i32 to index
    %get3A_87 = arith.constant 16 : index
    %get3A_88 = tpu.vector_load %arg8[%get3A_86, %get3A_87] {strides = array<i32>} : memref<16x128xf32, #tpu.memory_space<vmem>>, vector<1x16xf32>,
    %get3A_89 = vector.shape_cast %get3A_88 : vector<1x16xf32> to vector<16xf32>
    %mul3A_90 = arith.mulf %get3A_89, %get3A_47 : vector<16xf32>
    %add3A_91 = arith.addf %mul3A, %mul3A_90 : vector<16xf32>
    %get3A_92 = arith.constant 0 : i32
    %get3A_93 = arith.index_cast %get3A_92 : i32 to index
    %get3A_94 = arith.constant 32 : index
    %get3A_95 = tpu.vector_load %arg8[%get3A_93, %get3A_94] {strides = array<i32>} : memref<16x128xf32, #tpu.memory_space<vmem>>, vector<1x16xf32>,
    %get3A_96 = vector.shape_cast %get3A_95 : vector<1x16xf32> to vector<16xf32>
    %mul3A_97 = arith.mulf %get3A_96, %get3A_52 : vector<16xf32>
    %add3A_98 = arith.addf %add3A_91, %mul3A_97 : vector<16xf32>
    %get3A_99 = arith.constant 0 : i32
    %get3A_100 = arith.index_cast %get3A_99 : i32 to index
    %get3A_101 = arith.constant 48 : index
    %get3A_102 = tpu.vector_load %arg8[%get3A_100, %get3A_101] {strides = array<i32>} : memref<16x128xf32, #tpu.memory_space<vmem>>, vector<1x16xf32>,
    %get3A_103 = vector.shape_cast %get3A_102 : vector<1x16xf32> to vector<16xf32>
    %mul3A_104 = arith.mulf %get3A_103, %get3A_57 : vector<16xf32>
    %add3A_105 = arith.addf %add3A_98, %mul3A_104 : vector<16xf32>
    %get3A_106 = arith.constant 0 : i32
    %get3A_107 = arith.index_cast %get3A_106 : i32 to index
    %get3A_108 = arith.constant 64 : index
    %get3A_109 = tpu.vector_load %arg8[%get3A_107, %get3A_108] {strides = array<i32>} : memref<16x128xf32, #tpu.memory_space<vmem>>, vector<1x16xf32>,
    %get3A_110 = vector.shape_cast %get3A_109 : vector<1x16xf32> to vector<16xf32>
    %mul3A_111 = arith.mulf %get3A_110, %get3A_62 : vector<16xf32>
    %add3A_112 = arith.addf %add3A_105, %mul3A_111 : vector<16xf32>
    %get3A_113 = arith.constant 0 : i32
    %get3A_114 = arith.index_cast %get3A_113 : i32 to index
    %get3A_115 = arith.constant 80 : index
    %get3A_116 = tpu.vector_load %arg8[%get3A_114, %get3A_115] {strides = array<i32>} : memref<16x128xf32, #tpu.memory_space<vmem>>, vector<1x16xf32>,
    %get3A_117 = vector.shape_cast %get3A_116 : vector<1x16xf32> to vector<16xf32>
    %mul3A_118 = arith.mulf %get3A_117, %get3A_67 : vector<16xf32>
    %add3A_119 = arith.addf %add3A_112, %mul3A_118 : vector<16xf32>
    %get3A_120 = arith.constant 0 : i32
    %get3A_121 = arith.index_cast %get3A_120 : i32 to index
    %get3A_122 = arith.constant 96 : index
    %get3A_123 = tpu.vector_load %arg8[%get3A_121, %get3A_122] {strides = array<i32>} : memref<16x128xf32, #tpu.memory_space<vmem>>, vector<1x16xf32>,
    %get3A_124 = vector.shape_cast %get3A_123 : vector<1x16xf32> to vector<16xf32>
    %mul3A_125 = arith.mulf %get3A_124, %get3A_72 : vector<16xf32>
    %add3A_126 = arith.addf %add3A_119, %mul3A_125 : vector<16xf32>
    %get3A_127 = arith.constant 0 : i32
    %get3A_128 = arith.index_cast %get3A_127 : i32 to index
    %get3A_129 = arith.constant 112 : index
    %get3A_130 = tpu.vector_load %arg8[%get3A_128, %get3A_129] {strides = array<i32>} : memref<16x128xf32, #tpu.memory_space<vmem>>, vector<1x16xf32>,
    %get3A_131 = vector.shape_cast %get3A_130 : vector<1x16xf32> to vector<16xf32>
    %mul3A_132 = arith.mulf %get3A_131, %get3A_77 : vector<16xf32>
    %add3A_133 = arith.addf %add3A_126, %mul3A_132 : vector<16xf32>
    %xor3A = arith.constant 8 : i32
    %xor3A_134 = vector.broadcast %xor3A : i32 to vector<16xi32>
    %xor3A_135 = arith.xori %iota3A, %xor3A_134 : vector<16xi32>
    %broadcast_in_dim3A_136 = vector.shape_cast %xor3A_135 : vector<16xi32> to vector<16x1xi32>
    %gather3A_137 = vector.shape_cast %broadcast_in_dim3A_136 : vector<16x1xi32> to vector<16xi32>
    %gather3A_138 = tpu.dynamic_gather %add3A_133[%gather3A_137] in [0] : vector<16xf32>, vector<16xi32> -> vector<16xf32>
    %add3A_139 = arith.addf %add3A_133, %gather3A_138 : vector<16xf32>
    %xor3A_140 = arith.constant 4 : i32
    %xor3A_141 = vector.broadcast %xor3A_140 : i32 to vector<16xi32>
    %xor3A_142 = arith.xori %iota3A, %xor3A_141 : vector<16xi32>
    %broadcast_in_dim3A_143 = vector.shape_cast %xor3A_142 : vector<16xi32> to vector<16x1xi32>
    %gather3A_144 = vector.shape_cast %broadcast_in_dim3A_143 : vector<16x1xi32> to vector<16xi32>
    %gather3A_145 = tpu.dynamic_gather %add3A_139[%gather3A_144] in [0] : vector<16xf32>, vector<16xi32> -> vector<16xf32>
    %add3A_146 = arith.addf %add3A_139, %gather3A_145 : vector<16xf32>
    %xor3A_147 = arith.constant 2 : i32
    %xor3A_148 = vector.broadcast %xor3A_147 : i32 to vector<16xi32>
    %xor3A_149 = arith.xori %iota3A, %xor3A_148 : vector<16xi32>
    %broadcast_in_dim3A_150 = vector.shape_cast %xor3A_149 : vector<16xi32> to vector<16x1xi32>
    %gather3A_151 = vector.shape_cast %broadcast_in_dim3A_150 : vector<16x1xi32> to vector<16xi32>
    %gather3A_152 = tpu.dynamic_gather %add3A_146[%gather3A_151] in [0] : vector<16xf32>, vector<16xi32> -> vector<16xf32>
    %add3A_153 = arith.addf %add3A_146, %gather3A_152 : vector<16xf32>
    %xor3A_154 = arith.constant 1 : i32
    %xor3A_155 = vector.broadcast %xor3A_154 : i32 to vector<16xi32>
    %xor3A_156 = arith.xori %iota3A, %xor3A_155 : vector<16xi32>
    %broadcast_in_dim3A_157 = vector.shape_cast %xor3A_156 : vector<16xi32> to vector<16x1xi32>
    %gather3A_158 = vector.shape_cast %broadcast_in_dim3A_157 : vector<16x1xi32> to vector<16xi32>
    %gather3A_159 = tpu.dynamic_gather %add3A_153[%gather3A_158] in [0] : vector<16xf32>, vector<16xi32> -> vector<16xf32>
    %add3A_160 = arith.addf %add3A_153, %gather3A_159 : vector<16xf32>
    %eq3A = arith.constant 0 : i32
    %eq3A_161 = vector.broadcast %eq3A : i32 to vector<16xi32>
    %eq3A_162 = arith.cmpi eq, %iota3A, %eq3A_161 : vector<16xi32>
    %select_n3A_163 = arith.select %eq3A_162, %add3A_160, %broadcast_in_dim3A_79 : vector<16xi1>, vector<16xf32>
    %get3A_164 = arith.constant 1 : i32
    %get3A_165 = arith.index_cast %get3A_164 : i32 to index
    %get3A_166 = arith.constant 0 : index
    %get3A_167 = tpu.vector_load %arg8[%get3A_165, %get3A_166] {strides = array<i32>} : memref<16x128xf32, #tpu.memory_space<vmem>>, vector<1x16xf32>,
    %get3A_168 = vector.shape_cast %get3A_167 : vector<1x16xf32> to vector<16xf32>
    %mul3A_169 = arith.mulf %get3A_168, %get3A_42 : vector<16xf32>
    %get3A_170 = arith.constant 1 : i32
    %get3A_171 = arith.index_cast %get3A_170 : i32 to index
    %get3A_172 = arith.constant 16 : index
    %get3A_173 = tpu.vector_load %arg8[%get3A_171, %get3A_172] {strides = array<i32>} : memref<16x128xf32, #tpu.memory_space<vmem>>, vector<1x16xf32>,
    %get3A_174 = vector.shape_cast %get3A_173 : vector<1x16xf32> to vector<16xf32>
    %mul3A_175 = arith.mulf %get3A_174, %get3A_47 : vector<16xf32>
    %add3A_176 = arith.addf %mul3A_169, %mul3A_175 : vector<16xf32>
    %get3A_177 = arith.constant 1 : i32
    %get3A_178 = arith.index_cast %get3A_177 : i32 to index
    %get3A_179 = arith.constant 32 : index
    %get3A_180 = tpu.vector_load %arg8[%get3A_178, %get3A_179] {strides = array<i32>} : memref<16x128xf32, #tpu.memory_space<vmem>>, vector<1x16xf32>,
    %get3A_181 = vector.shape_cast %get3A_180 : vector<1x16xf32> to vector<16xf32>
    %mul3A_182 = arith.mulf %get3A_181, %get3A_52 : vector<16xf32>
    %add3A_183 = arith.addf %add3A_176, %mul3A_182 : vector<16xf32>
    %get3A_184 = arith.constant 1 : i32
    %get3A_185 = arith.index_cast %get3A_184 : i32 to index
    %get3A_186 = arith.constant 48 : index
    %get3A_187 = tpu.vector_load %arg8[%get3A_185, %get3A_186] {strides = array<i32>} : memref<16x128xf32, #tpu.memory_space<vmem>>, vector<1x16xf32>,
    %get3A_188 = vector.shape_cast %get3A_187 : vector<1x16xf32> to vector<16xf32>
    %mul3A_189 = arith.mulf %get3A_188, %get3A_57 : vector<16xf32>
    %add3A_190 = arith.addf %add3A_183, %mul3A_189 : vector<16xf32>
    %get3A_191 = arith.constant 1 : i32
    %get3A_192 = arith.index_cast %get3A_191 : i32 to index
    %get3A_193 = arith.constant 64 : index
    %get3A_194 = tpu.vector_load %arg8[%get3A_192, %get3A_193] {strides = array<i32>} : memref<16x128xf32, #tpu.memory_space<vmem>>, vector<1x16xf32>,
    %get3A_195 = vector.shape_cast %get3A_194 : vector<1x16xf32> to vector<16xf32>
    %mul3A_196 = arith.mulf %get3A_195, %get3A_62 : vector<16xf32>
    %add3A_197 = arith.addf %add3A_190, %mul3A_196 : vector<16xf32>
    %get3A_198 = arith.constant 1 : i32
    %get3A_199 = arith.index_cast %get3A_198 : i32 to index
    %get3A_200 = arith.constant 80 : index
    %get3A_201 = tpu.vector_load %arg8[%get3A_199, %get3A_200] {strides = array<i32>} : memref<16x128xf32, #tpu.memory_space<vmem>>, vector<1x16xf32>,
    %get3A_202 = vector.shape_cast %get3A_201 : vector<1x16xf32> to vector<16xf32>
    %mul3A_203 = arith.mulf %get3A_202, %get3A_67 : vector<16xf32>
    %add3A_204 = arith.addf %add3A_197, %mul3A_203 : vector<16xf32>
    %get3A_205 = arith.constant 1 : i32
    %get3A_206 = arith.index_cast %get3A_205 : i32 to index
    %get3A_207 = arith.constant 96 : index
    %get3A_208 = tpu.vector_load %arg8[%get3A_206, %get3A_207] {strides = array<i32>} : memref<16x128xf32, #tpu.memory_space<vmem>>, vector<1x16xf32>,
    %get3A_209 = vector.shape_cast %get3A_208 : vector<1x16xf32> to vector<16xf32>
    %mul3A_210 = arith.mulf %get3A_209, %get3A_72 : vector<16xf32>
    %add3A_211 = arith.addf %add3A_204, %mul3A_210 : vector<16xf32>
    %get3A_212 = arith.constant 1 : i32
    %get3A_213 = arith.index_cast %get3A_212 : i32 to index
    %get3A_214 = arith.constant 112 : index
    %get3A_215 = tpu.vector_load %arg8[%get3A_213, %get3A_214] {strides = array<i32>} : memref<16x128xf32, #tpu.memory_space<vmem>>, vector<1x16xf32>,
    %get3A_216 = vector.shape_cast %get3A_215 : vector<1x16xf32> to vector<16xf32>
    %mul3A_217 = arith.mulf %get3A_216, %get3A_77 : vector<16xf32>
    %add3A_218 = arith.addf %add3A_211, %mul3A_217 : vector<16xf32>
    %xor3A_219 = arith.constant 8 : i32
    %xor3A_220 = vector.broadcast %xor3A_219 : i32 to vector<16xi32>
    %xor3A_221 = arith.xori %iota3A, %xor3A_220 : vector<16xi32>
    %broadcast_in_dim3A_222 = vector.shape_cast %xor3A_221 : vector<16xi32> to vector<16x1xi32>
    %gather3A_223 = vector.shape_cast %broadcast_in_dim3A_222 : vector<16x1xi32> to vector<16xi32>
    %gather3A_224 = tpu.dynamic_gather %add3A_218[%gather3A_223] in [0] : vector<16xf32>, vector<16xi32> -> vector<16xf32>
    %add3A_225 = arith.addf %add3A_218, %gather3A_224 : vector<16xf32>
    %xor3A_226 = arith.constant 4 : i32
    %xor3A_227 = vector.broadcast %xor3A_226 : i32 to vector<16xi32>
    %xor3A_228 = arith.xori %iota3A, %xor3A_227 : vector<16xi32>
    %broadcast_in_dim3A_229 = vector.shape_cast %xor3A_228 : vector<16xi32> to vector<16x1xi32>
    %gather3A_230 = vector.shape_cast %broadcast_in_dim3A_229 : vector<16x1xi32> to vector<16xi32>
    %gather3A_231 = tpu.dynamic_gather %add3A_225[%gather3A_230] in [0] : vector<16xf32>, vector<16xi32> -> vector<16xf32>
    %add3A_232 = arith.addf %add3A_225, %gather3A_231 : vector<16xf32>
    %xor3A_233 = arith.constant 2 : i32
    %xor3A_234 = vector.broadcast %xor3A_233 : i32 to vector<16xi32>
    %xor3A_235 = arith.xori %iota3A, %xor3A_234 : vector<16xi32>
    %broadcast_in_dim3A_236 = vector.shape_cast %xor3A_235 : vector<16xi32> to vector<16x1xi32>
    %gather3A_237 = vector.shape_cast %broadcast_in_dim3A_236 : vector<16x1xi32> to vector<16xi32>
    %gather3A_238 = tpu.dynamic_gather %add3A_232[%gather3A_237] in [0] : vector<16xf32>, vector<16xi32> -> vector<16xf32>
    %add3A_239 = arith.addf %add3A_232, %gather3A_238 : vector<16xf32>
    %xor3A_240 = arith.constant 1 : i32
    %xor3A_241 = vector.broadcast %xor3A_240 : i32 to vector<16xi32>
    %xor3A_242 = arith.xori %iota3A, %xor3A_241 : vector<16xi32>
    %broadcast_in_dim3A_243 = vector.shape_cast %xor3A_242 : vector<16xi32> to vector<16x1xi32>
    %gather3A_244 = vector.shape_cast %broadcast_in_dim3A_243 : vector<16x1xi32> to vector<16xi32>
    %gather3A_245 = tpu.dynamic_gather %add3A_239[%gather3A_244] in [0] : vector<16xf32>, vector<16xi32> -> vector<16xf32>
    %add3A_246 = arith.addf %add3A_239, %gather3A_245 : vector<16xf32>
    %eq3A_247 = arith.constant 1 : i32
    %eq3A_248 = vector.broadcast %eq3A_247 : i32 to vector<16xi32>
    %eq3A_249 = arith.cmpi eq, %iota3A, %eq3A_248 : vector<16xi32>
    %select_n3A_250 = arith.select %eq3A_249, %add3A_246, %select_n3A_163 : vector<16xi1>, vector<16xf32>
    %get3A_251 = arith.constant 2 : i32
    %get3A_252 = arith.index_cast %get3A_251 : i32 to index
    %get3A_253 = arith.constant 0 : index
    %get3A_254 = tpu.vector_load %arg8[%get3A_252, %get3A_253] {strides = array<i32>} : memref<16x128xf32, #tpu.memory_space<vmem>>, vector<1x16xf32>,
    %get3A_255 = vector.shape_cast %get3A_254 : vector<1x16xf32> to vector<16xf32>
    %mul3A_256 = arith.mulf %get3A_255, %get3A_42 : vector<16xf32>
    %get3A_257 = arith.constant 2 : i32
    %get3A_258 = arith.index_cast %get3A_257 : i32 to index
    %get3A_259 = arith.constant 16 : index
    %get3A_260 = tpu.vector_load %arg8[%get3A_258, %get3A_259] {strides = array<i32>} : memref<16x128xf32, #tpu.memory_space<vmem>>, vector<1x16xf32>,
    %get3A_261 = vector.shape_cast %get3A_260 : vector<1x16xf32> to vector<16xf32>
    %mul3A_262 = arith.mulf %get3A_261, %get3A_47 : vector<16xf32>
    %add3A_263 = arith.addf %mul3A_256, %mul3A_262 : vector<16xf32>
    %get3A_264 = arith.constant 2 : i32
    %get3A_265 = arith.index_cast %get3A_264 : i32 to index
    %get3A_266 = arith.constant 32 : index
    %get3A_267 = tpu.vector_load %arg8[%get3A_265, %get3A_266] {strides = array<i32>} : memref<16x128xf32, #tpu.memory_space<vmem>>, vector<1x16xf32>,
    %get3A_268 = vector.shape_cast %get3A_267 : vector<1x16xf32> to vector<16xf32>
    %mul3A_269 = arith.mulf %get3A_268, %get3A_52 : vector<16xf32>
    %add3A_270 = arith.addf %add3A_263, %mul3A_269 : vector<16xf32>
    %get3A_271 = arith.constant 2 : i32
    %get3A_272 = arith.index_cast %get3A_271 : i32 to index
    %get3A_273 = arith.constant 48 : index
    %get3A_274 = tpu.vector_load %arg8[%get3A_272, %get3A_273] {strides = array<i32>} : memref<16x128xf32, #tpu.memory_space<vmem>>, vector<1x16xf32>,
    %get3A_275 = vector.shape_cast %get3A_274 : vector<1x16xf32> to vector<16xf32>
    %mul3A_276 = arith.mulf %get3A_275, %get3A_57 : vector<16xf32>
    %add3A_277 = arith.addf %add3A_270, %mul3A_276 : vector<16xf32>
    %get3A_278 = arith.constant 2 : i32
    %get3A_279 = arith.index_cast %get3A_278 : i32 to index
    %get3A_280 = arith.constant 64 : index
    %get3A_281 = tpu.vector_load %arg8[%get3A_279, %get3A_280] {strides = array<i32>} : memref<16x128xf32, #tpu.memory_space<vmem>>, vector<1x16xf32>,
    %get3A_282 = vector.shape_cast %get3A_281 : vector<1x16xf32> to vector<16xf32>
    %mul3A_283 = arith.mulf %get3A_282, %get3A_62 : vector<16xf32>
    %add3A_284 = arith.addf %add3A_277, %mul3A_283 : vector<16xf32>
    %get3A_285 = arith.constant 2 : i32
    %get3A_286 = arith.index_cast %get3A_285 : i32 to index
    %get3A_287 = arith.constant 80 : index
    %get3A_288 = tpu.vector_load %arg8[%get3A_286, %get3A_287] {strides = array<i32>} : memref<16x128xf32, #tpu.memory_space<vmem>>, vector<1x16xf32>,
    %get3A_289 = vector.shape_cast %get3A_288 : vector<1x16xf32> to vector<16xf32>
    %mul3A_290 = arith.mulf %get3A_289, %get3A_67 : vector<16xf32>
    %add3A_291 = arith.addf %add3A_284, %mul3A_290 : vector<16xf32>
    %get3A_292 = arith.constant 2 : i32
    %get3A_293 = arith.index_cast %get3A_292 : i32 to index
    %get3A_294 = arith.constant 96 : index
    %get3A_295 = tpu.vector_load %arg8[%get3A_293, %get3A_294] {strides = array<i32>} : memref<16x128xf32, #tpu.memory_space<vmem>>, vector<1x16xf32>,
    %get3A_296 = vector.shape_cast %get3A_295 : vector<1x16xf32> to vector<16xf32>
    %mul3A_297 = arith.mulf %get3A_296, %get3A_72 : vector<16xf32>
    %add3A_298 = arith.addf %add3A_291, %mul3A_297 : vector<16xf32>
    %get3A_299 = arith.constant 2 : i32
    %get3A_300 = arith.index_cast %get3A_299 : i32 to index
    %get3A_301 = arith.constant 112 : index
    %get3A_302 = tpu.vector_load %arg8[%get3A_300, %get3A_301] {strides = array<i32>} : memref<16x128xf32, #tpu.memory_space<vmem>>, vector<1x16xf32>,
    %get3A_303 = vector.shape_cast %get3A_302 : vector<1x16xf32> to vector<16xf32>
    %mul3A_304 = arith.mulf %get3A_303, %get3A_77 : vector<16xf32>
    %add3A_305 = arith.addf %add3A_298, %mul3A_304 : vector<16xf32>
    %xor3A_306 = arith.constant 8 : i32
    %xor3A_307 = vector.broadcast %xor3A_306 : i32 to vector<16xi32>
    %xor3A_308 = arith.xori %iota3A, %xor3A_307 : vector<16xi32>
    %broadcast_in_dim3A_309 = vector.shape_cast %xor3A_308 : vector<16xi32> to vector<16x1xi32>
    %gather3A_310 = vector.shape_cast %broadcast_in_dim3A_309 : vector<16x1xi32> to vector<16xi32>
    %gather3A_311 = tpu.dynamic_gather %add3A_305[%gather3A_310] in [0] : vector<16xf32>, vector<16xi32> -> vector<16xf32>
    %add3A_312 = arith.addf %add3A_305, %gather3A_311 : vector<16xf32>
    %xor3A_313 = arith.constant 4 : i32
    %xor3A_314 = vector.broadcast %xor3A_313 : i32 to vector<16xi32>
    %xor3A_315 = arith.xori %iota3A, %xor3A_314 : vector<16xi32>
    %broadcast_in_dim3A_316 = vector.shape_cast %xor3A_315 : vector<16xi32> to vector<16x1xi32>
    %gather3A_317 = vector.shape_cast %broadcast_in_dim3A_316 : vector<16x1xi32> to vector<16xi32>
    %gather3A_318 = tpu.dynamic_gather %add3A_312[%gather3A_317] in [0] : vector<16xf32>, vector<16xi32> -> vector<16xf32>
    %add3A_319 = arith.addf %add3A_312, %gather3A_318 : vector<16xf32>
    %xor3A_320 = arith.constant 2 : i32
    %xor3A_321 = vector.broadcast %xor3A_320 : i32 to vector<16xi32>
    %xor3A_322 = arith.xori %iota3A, %xor3A_321 : vector<16xi32>
    %broadcast_in_dim3A_323 = vector.shape_cast %xor3A_322 : vector<16xi32> to vector<16x1xi32>
    %gather3A_324 = vector.shape_cast %broadcast_in_dim3A_323 : vector<16x1xi32> to vector<16xi32>
    %gather3A_325 = tpu.dynamic_gather %add3A_319[%gather3A_324] in [0] : vector<16xf32>, vector<16xi32> -> vector<16xf32>
    %add3A_326 = arith.addf %add3A_319, %gather3A_325 : vector<16xf32>
    %xor3A_327 = arith.constant 1 : i32
    %xor3A_328 = vector.broadcast %xor3A_327 : i32 to vector<16xi32>
    %xor3A_329 = arith.xori %iota3A, %xor3A_328 : vector<16xi32>
    %broadcast_in_dim3A_330 = vector.shape_cast %xor3A_329 : vector<16xi32> to vector<16x1xi32>
    %gather3A_331 = vector.shape_cast %broadcast_in_dim3A_330 : vector<16x1xi32> to vector<16xi32>
    %gather3A_332 = tpu.dynamic_gather %add3A_326[%gather3A_331] in [0] : vector<16xf32>, vector<16xi32> -> vector<16xf32>
    %add3A_333 = arith.addf %add3A_326, %gather3A_332 : vector<16xf32>
    %eq3A_334 = arith.constant 2 : i32
    %eq3A_335 = vector.broadcast %eq3A_334 : i32 to vector<16xi32>
    %eq3A_336 = arith.cmpi eq, %iota3A, %eq3A_335 : vector<16xi32>
    %select_n3A_337 = arith.select %eq3A_336, %add3A_333, %select_n3A_250 : vector<16xi1>, vector<16xf32>
    %get3A_338 = arith.constant 3 : i32
    %get3A_339 = arith.index_cast %get3A_338 : i32 to index
    %get3A_340 = arith.constant 0 : index
    %get3A_341 = tpu.vector_load %arg8[%get3A_339, %get3A_340] {strides = array<i32>} : memref<16x128xf32, #tpu.memory_space<vmem>>, vector<1x16xf32>,
    %get3A_342 = vector.shape_cast %get3A_341 : vector<1x16xf32> to vector<16xf32>
    %mul3A_343 = arith.mulf %get3A_342, %get3A_42 : vector<16xf32>
    %get3A_344 = arith.constant 3 : i32
    %get3A_345 = arith.index_cast %get3A_344 : i32 to index
    %get3A_346 = arith.constant 16 : index
    %get3A_347 = tpu.vector_load %arg8[%get3A_345, %get3A_346] {strides = array<i32>} : memref<16x128xf32, #tpu.memory_space<vmem>>, vector<1x16xf32>,
    %get3A_348 = vector.shape_cast %get3A_347 : vector<1x16xf32> to vector<16xf32>
    %mul3A_349 = arith.mulf %get3A_348, %get3A_47 : vector<16xf32>
    %add3A_350 = arith.addf %mul3A_343, %mul3A_349 : vector<16xf32>
    %get3A_351 = arith.constant 3 : i32
    %get3A_352 = arith.index_cast %get3A_351 : i32 to index
    %get3A_353 = arith.constant 32 : index
    %get3A_354 = tpu.vector_load %arg8[%get3A_352, %get3A_353] {strides = array<i32>} : memref<16x128xf32, #tpu.memory_space<vmem>>, vector<1x16xf32>,
    %get3A_355 = vector.shape_cast %get3A_354 : vector<1x16xf32> to vector<16xf32>
    %mul3A_356 = arith.mulf %get3A_355, %get3A_52 : vector<16xf32>
    %add3A_357 = arith.addf %add3A_350, %mul3A_356 : vector<16xf32>
    %get3A_358 = arith.constant 3 : i32
    %get3A_359 = arith.index_cast %get3A_358 : i32 to index
    %get3A_360 = arith.constant 48 : index
    %get3A_361 = tpu.vector_load %arg8[%get3A_359, %get3A_360] {strides = array<i32>} : memref<16x128xf32, #tpu.memory_space<vmem>>, vector<1x16xf32>,
    %get3A_362 = vector.shape_cast %get3A_361 : vector<1x16xf32> to vector<16xf32>
    %mul3A_363 = arith.mulf %get3A_362, %get3A_57 : vector<16xf32>
    %add3A_364 = arith.addf %add3A_357, %mul3A_363 : vector<16xf32>
    %get3A_365 = arith.constant 3 : i32
    %get3A_366 = arith.index_cast %get3A_365 : i32 to index
    %get3A_367 = arith.constant 64 : index
    %get3A_368 = tpu.vector_load %arg8[%get3A_366, %get3A_367] {strides = array<i32>} : memref<16x128xf32, #tpu.memory_space<vmem>>, vector<1x16xf32>,
    %get3A_369 = vector.shape_cast %get3A_368 : vector<1x16xf32> to vector<16xf32>
    %mul3A_370 = arith.mulf %get3A_369, %get3A_62 : vector<16xf32>
    %add3A_371 = arith.addf %add3A_364, %mul3A_370 : vector<16xf32>
    %get3A_372 = arith.constant 3 : i32
    %get3A_373 = arith.index_cast %get3A_372 : i32 to index
    %get3A_374 = arith.constant 80 : index
    %get3A_375 = tpu.vector_load %arg8[%get3A_373, %get3A_374] {strides = array<i32>} : memref<16x128xf32, #tpu.memory_space<vmem>>, vector<1x16xf32>,
    %get3A_376 = vector.shape_cast %get3A_375 : vector<1x16xf32> to vector<16xf32>
    %mul3A_377 = arith.mulf %get3A_376, %get3A_67 : vector<16xf32>
    %add3A_378 = arith.addf %add3A_371, %mul3A_377 : vector<16xf32>
    %get3A_379 = arith.constant 3 : i32
    %get3A_380 = arith.index_cast %get3A_379 : i32 to index
    %get3A_381 = arith.constant 96 : index
    %get3A_382 = tpu.vector_load %arg8[%get3A_380, %get3A_381] {strides = array<i32>} : memref<16x128xf32, #tpu.memory_space<vmem>>, vector<1x16xf32>,
    %get3A_383 = vector.shape_cast %get3A_382 : vector<1x16xf32> to vector<16xf32>
    %mul3A_384 = arith.mulf %get3A_383, %get3A_72 : vector<16xf32>
    %add3A_385 = arith.addf %add3A_378, %mul3A_384 : vector<16xf32>
    %get3A_386 = arith.constant 3 : i32
    %get3A_387 = arith.index_cast %get3A_386 : i32 to index
    %get3A_388 = arith.constant 112 : index
    %get3A_389 = tpu.vector_load %arg8[%get3A_387, %get3A_388] {strides = array<i32>} : memref<16x128xf32, #tpu.memory_space<vmem>>, vector<1x16xf32>,
    %get3A_390 = vector.shape_cast %get3A_389 : vector<1x16xf32> to vector<16xf32>
    %mul3A_391 = arith.mulf %get3A_390, %get3A_77 : vector<16xf32>
    %add3A_392 = arith.addf %add3A_385, %mul3A_391 : vector<16xf32>
    %xor3A_393 = arith.constant 8 : i32
    %xor3A_394 = vector.broadcast %xor3A_393 : i32 to vector<16xi32>
    %xor3A_395 = arith.xori %iota3A, %xor3A_394 : vector<16xi32>
    %broadcast_in_dim3A_396 = vector.shape_cast %xor3A_395 : vector<16xi32> to vector<16x1xi32>
    %gather3A_397 = vector.shape_cast %broadcast_in_dim3A_396 : vector<16x1xi32> to vector<16xi32>
    %gather3A_398 = tpu.dynamic_gather %add3A_392[%gather3A_397] in [0] : vector<16xf32>, vector<16xi32> -> vector<16xf32>
    %add3A_399 = arith.addf %add3A_392, %gather3A_398 : vector<16xf32>
    %xor3A_400 = arith.constant 4 : i32
    %xor3A_401 = vector.broadcast %xor3A_400 : i32 to vector<16xi32>
    %xor3A_402 = arith.xori %iota3A, %xor3A_401 : vector<16xi32>
    %broadcast_in_dim3A_403 = vector.shape_cast %xor3A_402 : vector<16xi32> to vector<16x1xi32>
    %gather3A_404 = vector.shape_cast %broadcast_in_dim3A_403 : vector<16x1xi32> to vector<16xi32>
    %gather3A_405 = tpu.dynamic_gather %add3A_399[%gather3A_404] in [0] : vector<16xf32>, vector<16xi32> -> vector<16xf32>
    %add3A_406 = arith.addf %add3A_399, %gather3A_405 : vector<16xf32>
    %xor3A_407 = arith.constant 2 : i32
    %xor3A_408 = vector.broadcast %xor3A_407 : i32 to vector<16xi32>
    %xor3A_409 = arith.xori %iota3A, %xor3A_408 : vector<16xi32>
    %broadcast_in_dim3A_410 = vector.shape_cast %xor3A_409 : vector<16xi32> to vector<16x1xi32>
    %gather3A_411 = vector.shape_cast %broadcast_in_dim3A_410 : vector<16x1xi32> to vector<16xi32>
    %gather3A_412 = tpu.dynamic_gather %add3A_406[%gather3A_411] in [0] : vector<16xf32>, vector<16xi32> -> vector<16xf32>
    %add3A_413 = arith.addf %add3A_406, %gather3A_412 : vector<16xf32>
    %xor3A_414 = arith.constant 1 : i32
    %xor3A_415 = vector.broadcast %xor3A_414 : i32 to vector<16xi32>
    %xor3A_416 = arith.xori %iota3A, %xor3A_415 : vector<16xi32>
    %broadcast_in_dim3A_417 = vector.shape_cast %xor3A_416 : vector<16xi32> to vector<16x1xi32>
    %gather3A_418 = vector.shape_cast %broadcast_in_dim3A_417 : vector<16x1xi32> to vector<16xi32>
    %gather3A_419 = tpu.dynamic_gather %add3A_413[%gather3A_418] in [0] : vector<16xf32>, vector<16xi32> -> vector<16xf32>
    %add3A_420 = arith.addf %add3A_413, %gather3A_419 : vector<16xf32>
    %eq3A_421 = arith.constant 3 : i32
    %eq3A_422 = vector.broadcast %eq3A_421 : i32 to vector<16xi32>
    %eq3A_423 = arith.cmpi eq, %iota3A, %eq3A_422 : vector<16xi32>
    %select_n3A_424 = arith.select %eq3A_423, %add3A_420, %select_n3A_337 : vector<16xi1>, vector<16xf32>
    %get3A_425 = arith.constant 4 : i32
    %get3A_426 = arith.index_cast %get3A_425 : i32 to index
    %get3A_427 = arith.constant 0 : index
    %get3A_428 = tpu.vector_load %arg8[%get3A_426, %get3A_427] {strides = array<i32>} : memref<16x128xf32, #tpu.memory_space<vmem>>, vector<1x16xf32>,
    %get3A_429 = vector.shape_cast %get3A_428 : vector<1x16xf32> to vector<16xf32>
    %mul3A_430 = arith.mulf %get3A_429, %get3A_42 : vector<16xf32>
    %get3A_431 = arith.constant 4 : i32
    %get3A_432 = arith.index_cast %get3A_431 : i32 to index
    %get3A_433 = arith.constant 16 : index
    %get3A_434 = tpu.vector_load %arg8[%get3A_432, %get3A_433] {strides = array<i32>} : memref<16x128xf32, #tpu.memory_space<vmem>>, vector<1x16xf32>,
    %get3A_435 = vector.shape_cast %get3A_434 : vector<1x16xf32> to vector<16xf32>
    %mul3A_436 = arith.mulf %get3A_435, %get3A_47 : vector<16xf32>
    %add3A_437 = arith.addf %mul3A_430, %mul3A_436 : vector<16xf32>
    %get3A_438 = arith.constant 4 : i32
    %get3A_439 = arith.index_cast %get3A_438 : i32 to index
    %get3A_440 = arith.constant 32 : index
    %get3A_441 = tpu.vector_load %arg8[%get3A_439, %get3A_440] {strides = array<i32>} : memref<16x128xf32, #tpu.memory_space<vmem>>, vector<1x16xf32>,
    %get3A_442 = vector.shape_cast %get3A_441 : vector<1x16xf32> to vector<16xf32>
    %mul3A_443 = arith.mulf %get3A_442, %get3A_52 : vector<16xf32>
    %add3A_444 = arith.addf %add3A_437, %mul3A_443 : vector<16xf32>
    %get3A_445 = arith.constant 4 : i32
    %get3A_446 = arith.index_cast %get3A_445 : i32 to index
    %get3A_447 = arith.constant 48 : index
    %get3A_448 = tpu.vector_load %arg8[%get3A_446, %get3A_447] {strides = array<i32>} : memref<16x128xf32, #tpu.memory_space<vmem>>, vector<1x16xf32>,
    %get3A_449 = vector.shape_cast %get3A_448 : vector<1x16xf32> to vector<16xf32>
    %mul3A_450 = arith.mulf %get3A_449, %get3A_57 : vector<16xf32>
    %add3A_451 = arith.addf %add3A_444, %mul3A_450 : vector<16xf32>
    %get3A_452 = arith.constant 4 : i32
    %get3A_453 = arith.index_cast %get3A_452 : i32 to index
    %get3A_454 = arith.constant 64 : index
    %get3A_455 = tpu.vector_load %arg8[%get3A_453, %get3A_454] {strides = array<i32>} : memref<16x128xf32, #tpu.memory_space<vmem>>, vector<1x16xf32>,
    %get3A_456 = vector.shape_cast %get3A_455 : vector<1x16xf32> to vector<16xf32>
    %mul3A_457 = arith.mulf %get3A_456, %get3A_62 : vector<16xf32>
    %add3A_458 = arith.addf %add3A_451, %mul3A_457 : vector<16xf32>
    %get3A_459 = arith.constant 4 : i32
    %get3A_460 = arith.index_cast %get3A_459 : i32 to index
    %get3A_461 = arith.constant 80 : index
    %get3A_462 = tpu.vector_load %arg8[%get3A_460, %get3A_461] {strides = array<i32>} : memref<16x128xf32, #tpu.memory_space<vmem>>, vector<1x16xf32>,
    %get3A_463 = vector.shape_cast %get3A_462 : vector<1x16xf32> to vector<16xf32>
    %mul3A_464 = arith.mulf %get3A_463, %get3A_67 : vector<16xf32>
    %add3A_465 = arith.addf %add3A_458, %mul3A_464 : vector<16xf32>
    %get3A_466 = arith.constant 4 : i32
    %get3A_467 = arith.index_cast %get3A_466 : i32 to index
    %get3A_468 = arith.constant 96 : index
    %get3A_469 = tpu.vector_load %arg8[%get3A_467, %get3A_468] {strides = array<i32>} : memref<16x128xf32, #tpu.memory_space<vmem>>, vector<1x16xf32>,
    %get3A_470 = vector.shape_cast %get3A_469 : vector<1x16xf32> to vector<16xf32>
    %mul3A_471 = arith.mulf %get3A_470, %get3A_72 : vector<16xf32>
    %add3A_472 = arith.addf %add3A_465, %mul3A_471 : vector<16xf32>
    %get3A_473 = arith.constant 4 : i32
    %get3A_474 = arith.index_cast %get3A_473 : i32 to index
    %get3A_475 = arith.constant 112 : index
    %get3A_476 = tpu.vector_load %arg8[%get3A_474, %get3A_475] {strides = array<i32>} : memref<16x128xf32, #tpu.memory_space<vmem>>, vector<1x16xf32>,
    %get3A_477 = vector.shape_cast %get3A_476 : vector<1x16xf32> to vector<16xf32>
    %mul3A_478 = arith.mulf %get3A_477, %get3A_77 : vector<16xf32>
    %add3A_479 = arith.addf %add3A_472, %mul3A_478 : vector<16xf32>
    %xor3A_480 = arith.constant 8 : i32
    %xor3A_481 = vector.broadcast %xor3A_480 : i32 to vector<16xi32>
    %xor3A_482 = arith.xori %iota3A, %xor3A_481 : vector<16xi32>
    %broadcast_in_dim3A_483 = vector.shape_cast %xor3A_482 : vector<16xi32> to vector<16x1xi32>
    %gather3A_484 = vector.shape_cast %broadcast_in_dim3A_483 : vector<16x1xi32> to vector<16xi32>
    %gather3A_485 = tpu.dynamic_gather %add3A_479[%gather3A_484] in [0] : vector<16xf32>, vector<16xi32> -> vector<16xf32>
    %add3A_486 = arith.addf %add3A_479, %gather3A_485 : vector<16xf32>
    %xor3A_487 = arith.constant 4 : i32
    %xor3A_488 = vector.broadcast %xor3A_487 : i32 to vector<16xi32>
    %xor3A_489 = arith.xori %iota3A, %xor3A_488 : vector<16xi32>
    %broadcast_in_dim3A_490 = vector.shape_cast %xor3A_489 : vector<16xi32> to vector<16x1xi32>
    %gather3A_491 = vector.shape_cast %broadcast_in_dim3A_490 : vector<16x1xi32> to vector<16xi32>
    %gather3A_492 = tpu.dynamic_gather %add3A_486[%gather3A_491] in [0] : vector<16xf32>, vector<16xi32> -> vector<16xf32>
    %add3A_493 = arith.addf %add3A_486, %gather3A_492 : vector<16xf32>
    %xor3A_494 = arith.constant 2 : i32
    %xor3A_495 = vector.broadcast %xor3A_494 : i32 to vector<16xi32>
    %xor3A_496 = arith.xori %iota3A, %xor3A_495 : vector<16xi32>
    %broadcast_in_dim3A_497 = vector.shape_cast %xor3A_496 : vector<16xi32> to vector<16x1xi32>
    %gather3A_498 = vector.shape_cast %broadcast_in_dim3A_497 : vector<16x1xi32> to vector<16xi32>
    %gather3A_499 = tpu.dynamic_gather %add3A_493[%gather3A_498] in [0] : vector<16xf32>, vector<16xi32> -> vector<16xf32>
    %add3A_500 = arith.addf %add3A_493, %gather3A_499 : vector<16xf32>
    %xor3A_501 = arith.constant 1 : i32
    %xor3A_502 = vector.broadcast %xor3A_501 : i32 to vector<16xi32>
    %xor3A_503 = arith.xori %iota3A, %xor3A_502 : vector<16xi32>
    %broadcast_in_dim3A_504 = vector.shape_cast %xor3A_503 : vector<16xi32> to vector<16x1xi32>
    %gather3A_505 = vector.shape_cast %broadcast_in_dim3A_504 : vector<16x1xi32> to vector<16xi32>
    %gather3A_506 = tpu.dynamic_gather %add3A_500[%gather3A_505] in [0] : vector<16xf32>, vector<16xi32> -> vector<16xf32>
    %add3A_507 = arith.addf %add3A_500, %gather3A_506 : vector<16xf32>
    %eq3A_508 = arith.constant 4 : i32
    %eq3A_509 = vector.broadcast %eq3A_508 : i32 to vector<16xi32>
    %eq3A_510 = arith.cmpi eq, %iota3A, %eq3A_509 : vector<16xi32>
    %select_n3A_511 = arith.select %eq3A_510, %add3A_507, %select_n3A_424 : vector<16xi1>, vector<16xf32>
    %get3A_512 = arith.constant 5 : i32
    %get3A_513 = arith.index_cast %get3A_512 : i32 to index
    %get3A_514 = arith.constant 0 : index
    %get3A_515 = tpu.vector_load %arg8[%get3A_513, %get3A_514] {strides = array<i32>} : memref<16x128xf32, #tpu.memory_space<vmem>>, vector<1x16xf32>,
    %get3A_516 = vector.shape_cast %get3A_515 : vector<1x16xf32> to vector<16xf32>
    %mul3A_517 = arith.mulf %get3A_516, %get3A_42 : vector<16xf32>
    %get3A_518 = arith.constant 5 : i32
    %get3A_519 = arith.index_cast %get3A_518 : i32 to index
    %get3A_520 = arith.constant 16 : index
    %get3A_521 = tpu.vector_load %arg8[%get3A_519, %get3A_520] {strides = array<i32>} : memref<16x128xf32, #tpu.memory_space<vmem>>, vector<1x16xf32>,
    %get3A_522 = vector.shape_cast %get3A_521 : vector<1x16xf32> to vector<16xf32>
    %mul3A_523 = arith.mulf %get3A_522, %get3A_47 : vector<16xf32>
    %add3A_524 = arith.addf %mul3A_517, %mul3A_523 : vector<16xf32>
    %get3A_525 = arith.constant 5 : i32
    %get3A_526 = arith.index_cast %get3A_525 : i32 to index
    %get3A_527 = arith.constant 32 : index
    %get3A_528 = tpu.vector_load %arg8[%get3A_526, %get3A_527] {strides = array<i32>} : memref<16x128xf32, #tpu.memory_space<vmem>>, vector<1x16xf32>,
    %get3A_529 = vector.shape_cast %get3A_528 : vector<1x16xf32> to vector<16xf32>
    %mul3A_530 = arith.mulf %get3A_529, %get3A_52 : vector<16xf32>
    %add3A_531 = arith.addf %add3A_524, %mul3A_530 : vector<16xf32>
    %get3A_532 = arith.constant 5 : i32
    %get3A_533 = arith.index_cast %get3A_532 : i32 to index
    %get3A_534 = arith.constant 48 : index
    %get3A_535 = tpu.vector_load %arg8[%get3A_533, %get3A_534] {strides = array<i32>} : memref<16x128xf32, #tpu.memory_space<vmem>>, vector<1x16xf32>,
    %get3A_536 = vector.shape_cast %get3A_535 : vector<1x16xf32> to vector<16xf32>
    %mul3A_537 = arith.mulf %get3A_536, %get3A_57 : vector<16xf32>
    %add3A_538 = arith.addf %add3A_531, %mul3A_537 : vector<16xf32>
    %get3A_539 = arith.constant 5 : i32
    %get3A_540 = arith.index_cast %get3A_539 : i32 to index
    %get3A_541 = arith.constant 64 : index
    %get3A_542 = tpu.vector_load %arg8[%get3A_540, %get3A_541] {strides = array<i32>} : memref<16x128xf32, #tpu.memory_space<vmem>>, vector<1x16xf32>,
    %get3A_543 = vector.shape_cast %get3A_542 : vector<1x16xf32> to vector<16xf32>
    %mul3A_544 = arith.mulf %get3A_543, %get3A_62 : vector<16xf32>
    %add3A_545 = arith.addf %add3A_538, %mul3A_544 : vector<16xf32>
    %get3A_546 = arith.constant 5 : i32
    %get3A_547 = arith.index_cast %get3A_546 : i32 to index
    %get3A_548 = arith.constant 80 : index
    %get3A_549 = tpu.vector_load %arg8[%get3A_547, %get3A_548] {strides = array<i32>} : memref<16x128xf32, #tpu.memory_space<vmem>>, vector<1x16xf32>,
    %get3A_550 = vector.shape_cast %get3A_549 : vector<1x16xf32> to vector<16xf32>
    %mul3A_551 = arith.mulf %get3A_550, %get3A_67 : vector<16xf32>
    %add3A_552 = arith.addf %add3A_545, %mul3A_551 : vector<16xf32>
    %get3A_553 = arith.constant 5 : i32
    %get3A_554 = arith.index_cast %get3A_553 : i32 to index
    %get3A_555 = arith.constant 96 : index
    %get3A_556 = tpu.vector_load %arg8[%get3A_554, %get3A_555] {strides = array<i32>} : memref<16x128xf32, #tpu.memory_space<vmem>>, vector<1x16xf32>,
    %get3A_557 = vector.shape_cast %get3A_556 : vector<1x16xf32> to vector<16xf32>
    %mul3A_558 = arith.mulf %get3A_557, %get3A_72 : vector<16xf32>
    %add3A_559 = arith.addf %add3A_552, %mul3A_558 : vector<16xf32>
    %get3A_560 = arith.constant 5 : i32
    %get3A_561 = arith.index_cast %get3A_560 : i32 to index
    %get3A_562 = arith.constant 112 : index
    %get3A_563 = tpu.vector_load %arg8[%get3A_561, %get3A_562] {strides = array<i32>} : memref<16x128xf32, #tpu.memory_space<vmem>>, vector<1x16xf32>,
    %get3A_564 = vector.shape_cast %get3A_563 : vector<1x16xf32> to vector<16xf32>
    %mul3A_565 = arith.mulf %get3A_564, %get3A_77 : vector<16xf32>
    %add3A_566 = arith.addf %add3A_559, %mul3A_565 : vector<16xf32>
    %xor3A_567 = arith.constant 8 : i32
    %xor3A_568 = vector.broadcast %xor3A_567 : i32 to vector<16xi32>
    %xor3A_569 = arith.xori %iota3A, %xor3A_568 : vector<16xi32>
    %broadcast_in_dim3A_570 = vector.shape_cast %xor3A_569 : vector<16xi32> to vector<16x1xi32>
    %gather3A_571 = vector.shape_cast %broadcast_in_dim3A_570 : vector<16x1xi32> to vector<16xi32>
    %gather3A_572 = tpu.dynamic_gather %add3A_566[%gather3A_571] in [0] : vector<16xf32>, vector<16xi32> -> vector<16xf32>
    %add3A_573 = arith.addf %add3A_566, %gather3A_572 : vector<16xf32>
    %xor3A_574 = arith.constant 4 : i32
    %xor3A_575 = vector.broadcast %xor3A_574 : i32 to vector<16xi32>
    %xor3A_576 = arith.xori %iota3A, %xor3A_575 : vector<16xi32>
    %broadcast_in_dim3A_577 = vector.shape_cast %xor3A_576 : vector<16xi32> to vector<16x1xi32>
    %gather3A_578 = vector.shape_cast %broadcast_in_dim3A_577 : vector<16x1xi32> to vector<16xi32>
    %gather3A_579 = tpu.dynamic_gather %add3A_573[%gather3A_578] in [0] : vector<16xf32>, vector<16xi32> -> vector<16xf32>
    %add3A_580 = arith.addf %add3A_573, %gather3A_579 : vector<16xf32>
    %xor3A_581 = arith.constant 2 : i32
    %xor3A_582 = vector.broadcast %xor3A_581 : i32 to vector<16xi32>
    %xor3A_583 = arith.xori %iota3A, %xor3A_582 : vector<16xi32>
    %broadcast_in_dim3A_584 = vector.shape_cast %xor3A_583 : vector<16xi32> to vector<16x1xi32>
    %gather3A_585 = vector.shape_cast %broadcast_in_dim3A_584 : vector<16x1xi32> to vector<16xi32>
    %gather3A_586 = tpu.dynamic_gather %add3A_580[%gather3A_585] in [0] : vector<16xf32>, vector<16xi32> -> vector<16xf32>
    %add3A_587 = arith.addf %add3A_580, %gather3A_586 : vector<16xf32>
    %xor3A_588 = arith.constant 1 : i32
    %xor3A_589 = vector.broadcast %xor3A_588 : i32 to vector<16xi32>
    %xor3A_590 = arith.xori %iota3A, %xor3A_589 : vector<16xi32>
    %broadcast_in_dim3A_591 = vector.shape_cast %xor3A_590 : vector<16xi32> to vector<16x1xi32>
    %gather3A_592 = vector.shape_cast %broadcast_in_dim3A_591 : vector<16x1xi32> to vector<16xi32>
    %gather3A_593 = tpu.dynamic_gather %add3A_587[%gather3A_592] in [0] : vector<16xf32>, vector<16xi32> -> vector<16xf32>
    %add3A_594 = arith.addf %add3A_587, %gather3A_593 : vector<16xf32>
    %eq3A_595 = arith.constant 5 : i32
    %eq3A_596 = vector.broadcast %eq3A_595 : i32 to vector<16xi32>
    %eq3A_597 = arith.cmpi eq, %iota3A, %eq3A_596 : vector<16xi32>
    %select_n3A_598 = arith.select %eq3A_597, %add3A_594, %select_n3A_511 : vector<16xi1>, vector<16xf32>
    %get3A_599 = arith.constant 6 : i32
    %get3A_600 = arith.index_cast %get3A_599 : i32 to index
    %get3A_601 = arith.constant 0 : index
    %get3A_602 = tpu.vector_load %arg8[%get3A_600, %get3A_601] {strides = array<i32>} : memref<16x128xf32, #tpu.memory_space<vmem>>, vector<1x16xf32>,
    %get3A_603 = vector.shape_cast %get3A_602 : vector<1x16xf32> to vector<16xf32>
    %mul3A_604 = arith.mulf %get3A_603, %get3A_42 : vector<16xf32>
    %get3A_605 = arith.constant 6 : i32
    %get3A_606 = arith.index_cast %get3A_605 : i32 to index
    %get3A_607 = arith.constant 16 : index
    %get3A_608 = tpu.vector_load %arg8[%get3A_606, %get3A_607] {strides = array<i32>} : memref<16x128xf32, #tpu.memory_space<vmem>>, vector<1x16xf32>,
    %get3A_609 = vector.shape_cast %get3A_608 : vector<1x16xf32> to vector<16xf32>
    %mul3A_610 = arith.mulf %get3A_609, %get3A_47 : vector<16xf32>
    %add3A_611 = arith.addf %mul3A_604, %mul3A_610 : vector<16xf32>
    %get3A_612 = arith.constant 6 : i32
    %get3A_613 = arith.index_cast %get3A_612 : i32 to index
    %get3A_614 = arith.constant 32 : index
    %get3A_615 = tpu.vector_load %arg8[%get3A_613, %get3A_614] {strides = array<i32>} : memref<16x128xf32, #tpu.memory_space<vmem>>, vector<1x16xf32>,
    %get3A_616 = vector.shape_cast %get3A_615 : vector<1x16xf32> to vector<16xf32>
    %mul3A_617 = arith.mulf %get3A_616, %get3A_52 : vector<16xf32>
    %add3A_618 = arith.addf %add3A_611, %mul3A_617 : vector<16xf32>
    %get3A_619 = arith.constant 6 : i32
    %get3A_620 = arith.index_cast %get3A_619 : i32 to index
    %get3A_621 = arith.constant 48 : index
    %get3A_622 = tpu.vector_load %arg8[%get3A_620, %get3A_621] {strides = array<i32>} : memref<16x128xf32, #tpu.memory_space<vmem>>, vector<1x16xf32>,
    %get3A_623 = vector.shape_cast %get3A_622 : vector<1x16xf32> to vector<16xf32>
    %mul3A_624 = arith.mulf %get3A_623, %get3A_57 : vector<16xf32>
    %add3A_625 = arith.addf %add3A_618, %mul3A_624 : vector<16xf32>
    %get3A_626 = arith.constant 6 : i32
    %get3A_627 = arith.index_cast %get3A_626 : i32 to index
    %get3A_628 = arith.constant 64 : index
    %get3A_629 = tpu.vector_load %arg8[%get3A_627, %get3A_628] {strides = array<i32>} : memref<16x128xf32, #tpu.memory_space<vmem>>, vector<1x16xf32>,
    %get3A_630 = vector.shape_cast %get3A_629 : vector<1x16xf32> to vector<16xf32>
    %mul3A_631 = arith.mulf %get3A_630, %get3A_62 : vector<16xf32>
    %add3A_632 = arith.addf %add3A_625, %mul3A_631 : vector<16xf32>
    %get3A_633 = arith.constant 6 : i32
    %get3A_634 = arith.index_cast %get3A_633 : i32 to index
    %get3A_635 = arith.constant 80 : index
    %get3A_636 = tpu.vector_load %arg8[%get3A_634, %get3A_635] {strides = array<i32>} : memref<16x128xf32, #tpu.memory_space<vmem>>, vector<1x16xf32>,
    %get3A_637 = vector.shape_cast %get3A_636 : vector<1x16xf32> to vector<16xf32>
    %mul3A_638 = arith.mulf %get3A_637, %get3A_67 : vector<16xf32>
    %add3A_639 = arith.addf %add3A_632, %mul3A_638 : vector<16xf32>
    %get3A_640 = arith.constant 6 : i32
    %get3A_641 = arith.index_cast %get3A_640 : i32 to index
    %get3A_642 = arith.constant 96 : index
    %get3A_643 = tpu.vector_load %arg8[%get3A_641, %get3A_642] {strides = array<i32>} : memref<16x128xf32, #tpu.memory_space<vmem>>, vector<1x16xf32>,
    %get3A_644 = vector.shape_cast %get3A_643 : vector<1x16xf32> to vector<16xf32>
    %mul3A_645 = arith.mulf %get3A_644, %get3A_72 : vector<16xf32>
    %add3A_646 = arith.addf %add3A_639, %mul3A_645 : vector<16xf32>
    %get3A_647 = arith.constant 6 : i32
    %get3A_648 = arith.index_cast %get3A_647 : i32 to index
    %get3A_649 = arith.constant 112 : index
    %get3A_650 = tpu.vector_load %arg8[%get3A_648, %get3A_649] {strides = array<i32>} : memref<16x128xf32, #tpu.memory_space<vmem>>, vector<1x16xf32>,
    %get3A_651 = vector.shape_cast %get3A_650 : vector<1x16xf32> to vector<16xf32>
    %mul3A_652 = arith.mulf %get3A_651, %get3A_77 : vector<16xf32>
    %add3A_653 = arith.addf %add3A_646, %mul3A_652 : vector<16xf32>
    %xor3A_654 = arith.constant 8 : i32
    %xor3A_655 = vector.broadcast %xor3A_654 : i32 to vector<16xi32>
    %xor3A_656 = arith.xori %iota3A, %xor3A_655 : vector<16xi32>
    %broadcast_in_dim3A_657 = vector.shape_cast %xor3A_656 : vector<16xi32> to vector<16x1xi32>
    %gather3A_658 = vector.shape_cast %broadcast_in_dim3A_657 : vector<16x1xi32> to vector<16xi32>
    %gather3A_659 = tpu.dynamic_gather %add3A_653[%gather3A_658] in [0] : vector<16xf32>, vector<16xi32> -> vector<16xf32>
    %add3A_660 = arith.addf %add3A_653, %gather3A_659 : vector<16xf32>
    %xor3A_661 = arith.constant 4 : i32
    %xor3A_662 = vector.broadcast %xor3A_661 : i32 to vector<16xi32>
    %xor3A_663 = arith.xori %iota3A, %xor3A_662 : vector<16xi32>
    %broadcast_in_dim3A_664 = vector.shape_cast %xor3A_663 : vector<16xi32> to vector<16x1xi32>
    %gather3A_665 = vector.shape_cast %broadcast_in_dim3A_664 : vector<16x1xi32> to vector<16xi32>
    %gather3A_666 = tpu.dynamic_gather %add3A_660[%gather3A_665] in [0] : vector<16xf32>, vector<16xi32> -> vector<16xf32>
    %add3A_667 = arith.addf %add3A_660, %gather3A_666 : vector<16xf32>
    %xor3A_668 = arith.constant 2 : i32
    %xor3A_669 = vector.broadcast %xor3A_668 : i32 to vector<16xi32>
    %xor3A_670 = arith.xori %iota3A, %xor3A_669 : vector<16xi32>
    %broadcast_in_dim3A_671 = vector.shape_cast %xor3A_670 : vector<16xi32> to vector<16x1xi32>
    %gather3A_672 = vector.shape_cast %broadcast_in_dim3A_671 : vector<16x1xi32> to vector<16xi32>
    %gather3A_673 = tpu.dynamic_gather %add3A_667[%gather3A_672] in [0] : vector<16xf32>, vector<16xi32> -> vector<16xf32>
    %add3A_674 = arith.addf %add3A_667, %gather3A_673 : vector<16xf32>
    %xor3A_675 = arith.constant 1 : i32
    %xor3A_676 = vector.broadcast %xor3A_675 : i32 to vector<16xi32>
    %xor3A_677 = arith.xori %iota3A, %xor3A_676 : vector<16xi32>
    %broadcast_in_dim3A_678 = vector.shape_cast %xor3A_677 : vector<16xi32> to vector<16x1xi32>
    %gather3A_679 = vector.shape_cast %broadcast_in_dim3A_678 : vector<16x1xi32> to vector<16xi32>
    %gather3A_680 = tpu.dynamic_gather %add3A_674[%gather3A_679] in [0] : vector<16xf32>, vector<16xi32> -> vector<16xf32>
    %add3A_681 = arith.addf %add3A_674, %gather3A_680 : vector<16xf32>
    %eq3A_682 = arith.constant 6 : i32
    %eq3A_683 = vector.broadcast %eq3A_682 : i32 to vector<16xi32>
    %eq3A_684 = arith.cmpi eq, %iota3A, %eq3A_683 : vector<16xi32>
    %select_n3A_685 = arith.select %eq3A_684, %add3A_681, %select_n3A_598 : vector<16xi1>, vector<16xf32>
    %get3A_686 = arith.constant 7 : i32
    %get3A_687 = arith.index_cast %get3A_686 : i32 to index
    %get3A_688 = arith.constant 0 : index
    %get3A_689 = tpu.vector_load %arg8[%get3A_687, %get3A_688] {strides = array<i32>} : memref<16x128xf32, #tpu.memory_space<vmem>>, vector<1x16xf32>,
    %get3A_690 = vector.shape_cast %get3A_689 : vector<1x16xf32> to vector<16xf32>
    %mul3A_691 = arith.mulf %get3A_690, %get3A_42 : vector<16xf32>
    %get3A_692 = arith.constant 7 : i32
    %get3A_693 = arith.index_cast %get3A_692 : i32 to index
    %get3A_694 = arith.constant 16 : index
    %get3A_695 = tpu.vector_load %arg8[%get3A_693, %get3A_694] {strides = array<i32>} : memref<16x128xf32, #tpu.memory_space<vmem>>, vector<1x16xf32>,
    %get3A_696 = vector.shape_cast %get3A_695 : vector<1x16xf32> to vector<16xf32>
    %mul3A_697 = arith.mulf %get3A_696, %get3A_47 : vector<16xf32>
    %add3A_698 = arith.addf %mul3A_691, %mul3A_697 : vector<16xf32>
    %get3A_699 = arith.constant 7 : i32
    %get3A_700 = arith.index_cast %get3A_699 : i32 to index
    %get3A_701 = arith.constant 32 : index
    %get3A_702 = tpu.vector_load %arg8[%get3A_700, %get3A_701] {strides = array<i32>} : memref<16x128xf32, #tpu.memory_space<vmem>>, vector<1x16xf32>,
    %get3A_703 = vector.shape_cast %get3A_702 : vector<1x16xf32> to vector<16xf32>
    %mul3A_704 = arith.mulf %get3A_703, %get3A_52 : vector<16xf32>
    %add3A_705 = arith.addf %add3A_698, %mul3A_704 : vector<16xf32>
    %get3A_706 = arith.constant 7 : i32
    %get3A_707 = arith.index_cast %get3A_706 : i32 to index
    %get3A_708 = arith.constant 48 : index
    %get3A_709 = tpu.vector_load %arg8[%get3A_707, %get3A_708] {strides = array<i32>} : memref<16x128xf32, #tpu.memory_space<vmem>>, vector<1x16xf32>,
    %get3A_710 = vector.shape_cast %get3A_709 : vector<1x16xf32> to vector<16xf32>
    %mul3A_711 = arith.mulf %get3A_710, %get3A_57 : vector<16xf32>
    %add3A_712 = arith.addf %add3A_705, %mul3A_711 : vector<16xf32>
    %get3A_713 = arith.constant 7 : i32
    %get3A_714 = arith.index_cast %get3A_713 : i32 to index
    %get3A_715 = arith.constant 64 : index
    %get3A_716 = tpu.vector_load %arg8[%get3A_714, %get3A_715] {strides = array<i32>} : memref<16x128xf32, #tpu.memory_space<vmem>>, vector<1x16xf32>,
    %get3A_717 = vector.shape_cast %get3A_716 : vector<1x16xf32> to vector<16xf32>
    %mul3A_718 = arith.mulf %get3A_717, %get3A_62 : vector<16xf32>
    %add3A_719 = arith.addf %add3A_712, %mul3A_718 : vector<16xf32>
    %get3A_720 = arith.constant 7 : i32
    %get3A_721 = arith.index_cast %get3A_720 : i32 to index
    %get3A_722 = arith.constant 80 : index
    %get3A_723 = tpu.vector_load %arg8[%get3A_721, %get3A_722] {strides = array<i32>} : memref<16x128xf32, #tpu.memory_space<vmem>>, vector<1x16xf32>,
    %get3A_724 = vector.shape_cast %get3A_723 : vector<1x16xf32> to vector<16xf32>
    %mul3A_725 = arith.mulf %get3A_724, %get3A_67 : vector<16xf32>
    %add3A_726 = arith.addf %add3A_719, %mul3A_725 : vector<16xf32>
    %get3A_727 = arith.constant 7 : i32
    %get3A_728 = arith.index_cast %get3A_727 : i32 to index
    %get3A_729 = arith.constant 96 : index
    %get3A_730 = tpu.vector_load %arg8[%get3A_728, %get3A_729] {strides = array<i32>} : memref<16x128xf32, #tpu.memory_space<vmem>>, vector<1x16xf32>,
    %get3A_731 = vector.shape_cast %get3A_730 : vector<1x16xf32> to vector<16xf32>
    %mul3A_732 = arith.mulf %get3A_731, %get3A_72 : vector<16xf32>
    %add3A_733 = arith.addf %add3A_726, %mul3A_732 : vector<16xf32>
    %get3A_734 = arith.constant 7 : i32
    %get3A_735 = arith.index_cast %get3A_734 : i32 to index
    %get3A_736 = arith.constant 112 : index
    %get3A_737 = tpu.vector_load %arg8[%get3A_735, %get3A_736] {strides = array<i32>} : memref<16x128xf32, #tpu.memory_space<vmem>>, vector<1x16xf32>,
    %get3A_738 = vector.shape_cast %get3A_737 : vector<1x16xf32> to vector<16xf32>
    %mul3A_739 = arith.mulf %get3A_738, %get3A_77 : vector<16xf32>
    %add3A_740 = arith.addf %add3A_733, %mul3A_739 : vector<16xf32>
    %xor3A_741 = arith.constant 8 : i32
    %xor3A_742 = vector.broadcast %xor3A_741 : i32 to vector<16xi32>
    %xor3A_743 = arith.xori %iota3A, %xor3A_742 : vector<16xi32>
    %broadcast_in_dim3A_744 = vector.shape_cast %xor3A_743 : vector<16xi32> to vector<16x1xi32>
    %gather3A_745 = vector.shape_cast %broadcast_in_dim3A_744 : vector<16x1xi32> to vector<16xi32>
    %gather3A_746 = tpu.dynamic_gather %add3A_740[%gather3A_745] in [0] : vector<16xf32>, vector<16xi32> -> vector<16xf32>
    %add3A_747 = arith.addf %add3A_740, %gather3A_746 : vector<16xf32>
    %xor3A_748 = arith.constant 4 : i32
    %xor3A_749 = vector.broadcast %xor3A_748 : i32 to vector<16xi32>
    %xor3A_750 = arith.xori %iota3A, %xor3A_749 : vector<16xi32>
    %broadcast_in_dim3A_751 = vector.shape_cast %xor3A_750 : vector<16xi32> to vector<16x1xi32>
    %gather3A_752 = vector.shape_cast %broadcast_in_dim3A_751 : vector<16x1xi32> to vector<16xi32>
    %gather3A_753 = tpu.dynamic_gather %add3A_747[%gather3A_752] in [0] : vector<16xf32>, vector<16xi32> -> vector<16xf32>
    %add3A_754 = arith.addf %add3A_747, %gather3A_753 : vector<16xf32>
    %xor3A_755 = arith.constant 2 : i32
    %xor3A_756 = vector.broadcast %xor3A_755 : i32 to vector<16xi32>
    %xor3A_757 = arith.xori %iota3A, %xor3A_756 : vector<16xi32>
    %broadcast_in_dim3A_758 = vector.shape_cast %xor3A_757 : vector<16xi32> to vector<16x1xi32>
    %gather3A_759 = vector.shape_cast %broadcast_in_dim3A_758 : vector<16x1xi32> to vector<16xi32>
    %gather3A_760 = tpu.dynamic_gather %add3A_754[%gather3A_759] in [0] : vector<16xf32>, vector<16xi32> -> vector<16xf32>
    %add3A_761 = arith.addf %add3A_754, %gather3A_760 : vector<16xf32>
    %xor3A_762 = arith.constant 1 : i32
    %xor3A_763 = vector.broadcast %xor3A_762 : i32 to vector<16xi32>
    %xor3A_764 = arith.xori %iota3A, %xor3A_763 : vector<16xi32>
    %broadcast_in_dim3A_765 = vector.shape_cast %xor3A_764 : vector<16xi32> to vector<16x1xi32>
    %gather3A_766 = vector.shape_cast %broadcast_in_dim3A_765 : vector<16x1xi32> to vector<16xi32>
    %gather3A_767 = tpu.dynamic_gather %add3A_761[%gather3A_766] in [0] : vector<16xf32>, vector<16xi32> -> vector<16xf32>
    %add3A_768 = arith.addf %add3A_761, %gather3A_767 : vector<16xf32>
    %eq3A_769 = arith.constant 7 : i32
    %eq3A_770 = vector.broadcast %eq3A_769 : i32 to vector<16xi32>
    %eq3A_771 = arith.cmpi eq, %iota3A, %eq3A_770 : vector<16xi32>
    %select_n3A_772 = arith.select %eq3A_771, %add3A_768, %select_n3A_685 : vector<16xi1>, vector<16xf32>
    %get3A_773 = arith.constant 8 : i32
    %get3A_774 = arith.index_cast %get3A_773 : i32 to index
    %get3A_775 = arith.constant 0 : index
    %get3A_776 = tpu.vector_load %arg8[%get3A_774, %get3A_775] {strides = array<i32>} : memref<16x128xf32, #tpu.memory_space<vmem>>, vector<1x16xf32>,
    %get3A_777 = vector.shape_cast %get3A_776 : vector<1x16xf32> to vector<16xf32>
    %mul3A_778 = arith.mulf %get3A_777, %get3A_42 : vector<16xf32>
    %get3A_779 = arith.constant 8 : i32
    %get3A_780 = arith.index_cast %get3A_779 : i32 to index
    %get3A_781 = arith.constant 16 : index
    %get3A_782 = tpu.vector_load %arg8[%get3A_780, %get3A_781] {strides = array<i32>} : memref<16x128xf32, #tpu.memory_space<vmem>>, vector<1x16xf32>,
    %get3A_783 = vector.shape_cast %get3A_782 : vector<1x16xf32> to vector<16xf32>
    %mul3A_784 = arith.mulf %get3A_783, %get3A_47 : vector<16xf32>
    %add3A_785 = arith.addf %mul3A_778, %mul3A_784 : vector<16xf32>
    %get3A_786 = arith.constant 8 : i32
    %get3A_787 = arith.index_cast %get3A_786 : i32 to index
    %get3A_788 = arith.constant 32 : index
    %get3A_789 = tpu.vector_load %arg8[%get3A_787, %get3A_788] {strides = array<i32>} : memref<16x128xf32, #tpu.memory_space<vmem>>, vector<1x16xf32>,
    %get3A_790 = vector.shape_cast %get3A_789 : vector<1x16xf32> to vector<16xf32>
    %mul3A_791 = arith.mulf %get3A_790, %get3A_52 : vector<16xf32>
    %add3A_792 = arith.addf %add3A_785, %mul3A_791 : vector<16xf32>
    %get3A_793 = arith.constant 8 : i32
    %get3A_794 = arith.index_cast %get3A_793 : i32 to index
    %get3A_795 = arith.constant 48 : index
    %get3A_796 = tpu.vector_load %arg8[%get3A_794, %get3A_795] {strides = array<i32>} : memref<16x128xf32, #tpu.memory_space<vmem>>, vector<1x16xf32>,
    %get3A_797 = vector.shape_cast %get3A_796 : vector<1x16xf32> to vector<16xf32>
    %mul3A_798 = arith.mulf %get3A_797, %get3A_57 : vector<16xf32>
    %add3A_799 = arith.addf %add3A_792, %mul3A_798 : vector<16xf32>
    %get3A_800 = arith.constant 8 : i32
    %get3A_801 = arith.index_cast %get3A_800 : i32 to index
    %get3A_802 = arith.constant 64 : index
    %get3A_803 = tpu.vector_load %arg8[%get3A_801, %get3A_802] {strides = array<i32>} : memref<16x128xf32, #tpu.memory_space<vmem>>, vector<1x16xf32>,
    %get3A_804 = vector.shape_cast %get3A_803 : vector<1x16xf32> to vector<16xf32>
    %mul3A_805 = arith.mulf %get3A_804, %get3A_62 : vector<16xf32>
    %add3A_806 = arith.addf %add3A_799, %mul3A_805 : vector<16xf32>
    %get3A_807 = arith.constant 8 : i32
    %get3A_808 = arith.index_cast %get3A_807 : i32 to index
    %get3A_809 = arith.constant 80 : index
    %get3A_810 = tpu.vector_load %arg8[%get3A_808, %get3A_809] {strides = array<i32>} : memref<16x128xf32, #tpu.memory_space<vmem>>, vector<1x16xf32>,
    %get3A_811 = vector.shape_cast %get3A_810 : vector<1x16xf32> to vector<16xf32>
    %mul3A_812 = arith.mulf %get3A_811, %get3A_67 : vector<16xf32>
    %add3A_813 = arith.addf %add3A_806, %mul3A_812 : vector<16xf32>
    %get3A_814 = arith.constant 8 : i32
    %get3A_815 = arith.index_cast %get3A_814 : i32 to index
    %get3A_816 = arith.constant 96 : index
    %get3A_817 = tpu.vector_load %arg8[%get3A_815, %get3A_816] {strides = array<i32>} : memref<16x128xf32, #tpu.memory_space<vmem>>, vector<1x16xf32>,
    %get3A_818 = vector.shape_cast %get3A_817 : vector<1x16xf32> to vector<16xf32>
    %mul3A_819 = arith.mulf %get3A_818, %get3A_72 : vector<16xf32>
    %add3A_820 = arith.addf %add3A_813, %mul3A_819 : vector<16xf32>
    %get3A_821 = arith.constant 8 : i32
    %get3A_822 = arith.index_cast %get3A_821 : i32 to index
    %get3A_823 = arith.constant 112 : index
    %get3A_824 = tpu.vector_load %arg8[%get3A_822, %get3A_823] {strides = array<i32>} : memref<16x128xf32, #tpu.memory_space<vmem>>, vector<1x16xf32>,
    %get3A_825 = vector.shape_cast %get3A_824 : vector<1x16xf32> to vector<16xf32>
    %mul3A_826 = arith.mulf %get3A_825, %get3A_77 : vector<16xf32>
    %add3A_827 = arith.addf %add3A_820, %mul3A_826 : vector<16xf32>
    %xor3A_828 = arith.constant 8 : i32
    %xor3A_829 = vector.broadcast %xor3A_828 : i32 to vector<16xi32>
    %xor3A_830 = arith.xori %iota3A, %xor3A_829 : vector<16xi32>
    %broadcast_in_dim3A_831 = vector.shape_cast %xor3A_830 : vector<16xi32> to vector<16x1xi32>
    %gather3A_832 = vector.shape_cast %broadcast_in_dim3A_831 : vector<16x1xi32> to vector<16xi32>
    %gather3A_833 = tpu.dynamic_gather %add3A_827[%gather3A_832] in [0] : vector<16xf32>, vector<16xi32> -> vector<16xf32>
    %add3A_834 = arith.addf %add3A_827, %gather3A_833 : vector<16xf32>
    %xor3A_835 = arith.constant 4 : i32
    %xor3A_836 = vector.broadcast %xor3A_835 : i32 to vector<16xi32>
    %xor3A_837 = arith.xori %iota3A, %xor3A_836 : vector<16xi32>
    %broadcast_in_dim3A_838 = vector.shape_cast %xor3A_837 : vector<16xi32> to vector<16x1xi32>
    %gather3A_839 = vector.shape_cast %broadcast_in_dim3A_838 : vector<16x1xi32> to vector<16xi32>
    %gather3A_840 = tpu.dynamic_gather %add3A_834[%gather3A_839] in [0] : vector<16xf32>, vector<16xi32> -> vector<16xf32>
    %add3A_841 = arith.addf %add3A_834, %gather3A_840 : vector<16xf32>
    %xor3A_842 = arith.constant 2 : i32
    %xor3A_843 = vector.broadcast %xor3A_842 : i32 to vector<16xi32>
    %xor3A_844 = arith.xori %iota3A, %xor3A_843 : vector<16xi32>
    %broadcast_in_dim3A_845 = vector.shape_cast %xor3A_844 : vector<16xi32> to vector<16x1xi32>
    %gather3A_846 = vector.shape_cast %broadcast_in_dim3A_845 : vector<16x1xi32> to vector<16xi32>
    %gather3A_847 = tpu.dynamic_gather %add3A_841[%gather3A_846] in [0] : vector<16xf32>, vector<16xi32> -> vector<16xf32>
    %add3A_848 = arith.addf %add3A_841, %gather3A_847 : vector<16xf32>
    %xor3A_849 = arith.constant 1 : i32
    %xor3A_850 = vector.broadcast %xor3A_849 : i32 to vector<16xi32>
    %xor3A_851 = arith.xori %iota3A, %xor3A_850 : vector<16xi32>
    %broadcast_in_dim3A_852 = vector.shape_cast %xor3A_851 : vector<16xi32> to vector<16x1xi32>
    %gather3A_853 = vector.shape_cast %broadcast_in_dim3A_852 : vector<16x1xi32> to vector<16xi32>
    %gather3A_854 = tpu.dynamic_gather %add3A_848[%gather3A_853] in [0] : vector<16xf32>, vector<16xi32> -> vector<16xf32>
    %add3A_855 = arith.addf %add3A_848, %gather3A_854 : vector<16xf32>
    %eq3A_856 = arith.constant 8 : i32
    %eq3A_857 = vector.broadcast %eq3A_856 : i32 to vector<16xi32>
    %eq3A_858 = arith.cmpi eq, %iota3A, %eq3A_857 : vector<16xi32>
    %select_n3A_859 = arith.select %eq3A_858, %add3A_855, %select_n3A_772 : vector<16xi1>, vector<16xf32>
    %get3A_860 = arith.constant 9 : i32
    %get3A_861 = arith.index_cast %get3A_860 : i32 to index
    %get3A_862 = arith.constant 0 : index
    %get3A_863 = tpu.vector_load %arg8[%get3A_861, %get3A_862] {strides = array<i32>} : memref<16x128xf32, #tpu.memory_space<vmem>>, vector<1x16xf32>,
    %get3A_864 = vector.shape_cast %get3A_863 : vector<1x16xf32> to vector<16xf32>
    %mul3A_865 = arith.mulf %get3A_864, %get3A_42 : vector<16xf32>
    %get3A_866 = arith.constant 9 : i32
    %get3A_867 = arith.index_cast %get3A_866 : i32 to index
    %get3A_868 = arith.constant 16 : index
    %get3A_869 = tpu.vector_load %arg8[%get3A_867, %get3A_868] {strides = array<i32>} : memref<16x128xf32, #tpu.memory_space<vmem>>, vector<1x16xf32>,
    %get3A_870 = vector.shape_cast %get3A_869 : vector<1x16xf32> to vector<16xf32>
    %mul3A_871 = arith.mulf %get3A_870, %get3A_47 : vector<16xf32>
    %add3A_872 = arith.addf %mul3A_865, %mul3A_871 : vector<16xf32>
    %get3A_873 = arith.constant 9 : i32
    %get3A_874 = arith.index_cast %get3A_873 : i32 to index
    %get3A_875 = arith.constant 32 : index
    %get3A_876 = tpu.vector_load %arg8[%get3A_874, %get3A_875] {strides = array<i32>} : memref<16x128xf32, #tpu.memory_space<vmem>>, vector<1x16xf32>,
    %get3A_877 = vector.shape_cast %get3A_876 : vector<1x16xf32> to vector<16xf32>
    %mul3A_878 = arith.mulf %get3A_877, %get3A_52 : vector<16xf32>
    %add3A_879 = arith.addf %add3A_872, %mul3A_878 : vector<16xf32>
    %get3A_880 = arith.constant 9 : i32
    %get3A_881 = arith.index_cast %get3A_880 : i32 to index
    %get3A_882 = arith.constant 48 : index
    %get3A_883 = tpu.vector_load %arg8[%get3A_881, %get3A_882] {strides = array<i32>} : memref<16x128xf32, #tpu.memory_space<vmem>>, vector<1x16xf32>,
    %get3A_884 = vector.shape_cast %get3A_883 : vector<1x16xf32> to vector<16xf32>
    %mul3A_885 = arith.mulf %get3A_884, %get3A_57 : vector<16xf32>
    %add3A_886 = arith.addf %add3A_879, %mul3A_885 : vector<16xf32>
    %get3A_887 = arith.constant 9 : i32
    %get3A_888 = arith.index_cast %get3A_887 : i32 to index
    %get3A_889 = arith.constant 64 : index
    %get3A_890 = tpu.vector_load %arg8[%get3A_888, %get3A_889] {strides = array<i32>} : memref<16x128xf32, #tpu.memory_space<vmem>>, vector<1x16xf32>,
    %get3A_891 = vector.shape_cast %get3A_890 : vector<1x16xf32> to vector<16xf32>
    %mul3A_892 = arith.mulf %get3A_891, %get3A_62 : vector<16xf32>
    %add3A_893 = arith.addf %add3A_886, %mul3A_892 : vector<16xf32>
    %get3A_894 = arith.constant 9 : i32
    %get3A_895 = arith.index_cast %get3A_894 : i32 to index
    %get3A_896 = arith.constant 80 : index
    %get3A_897 = tpu.vector_load %arg8[%get3A_895, %get3A_896] {strides = array<i32>} : memref<16x128xf32, #tpu.memory_space<vmem>>, vector<1x16xf32>,
    %get3A_898 = vector.shape_cast %get3A_897 : vector<1x16xf32> to vector<16xf32>
    %mul3A_899 = arith.mulf %get3A_898, %get3A_67 : vector<16xf32>
    %add3A_900 = arith.addf %add3A_893, %mul3A_899 : vector<16xf32>
    %get3A_901 = arith.constant 9 : i32
    %get3A_902 = arith.index_cast %get3A_901 : i32 to index
    %get3A_903 = arith.constant 96 : index
    %get3A_904 = tpu.vector_load %arg8[%get3A_902, %get3A_903] {strides = array<i32>} : memref<16x128xf32, #tpu.memory_space<vmem>>, vector<1x16xf32>,
    %get3A_905 = vector.shape_cast %get3A_904 : vector<1x16xf32> to vector<16xf32>
    %mul3A_906 = arith.mulf %get3A_905, %get3A_72 : vector<16xf32>
    %add3A_907 = arith.addf %add3A_900, %mul3A_906 : vector<16xf32>
    %get3A_908 = arith.constant 9 : i32
    %get3A_909 = arith.index_cast %get3A_908 : i32 to index
    %get3A_910 = arith.constant 112 : index
    %get3A_911 = tpu.vector_load %arg8[%get3A_909, %get3A_910] {strides = array<i32>} : memref<16x128xf32, #tpu.memory_space<vmem>>, vector<1x16xf32>,
    %get3A_912 = vector.shape_cast %get3A_911 : vector<1x16xf32> to vector<16xf32>
    %mul3A_913 = arith.mulf %get3A_912, %get3A_77 : vector<16xf32>
    %add3A_914 = arith.addf %add3A_907, %mul3A_913 : vector<16xf32>
    %xor3A_915 = arith.constant 8 : i32
    %xor3A_916 = vector.broadcast %xor3A_915 : i32 to vector<16xi32>
    %xor3A_917 = arith.xori %iota3A, %xor3A_916 : vector<16xi32>
    %broadcast_in_dim3A_918 = vector.shape_cast %xor3A_917 : vector<16xi32> to vector<16x1xi32>
    %gather3A_919 = vector.shape_cast %broadcast_in_dim3A_918 : vector<16x1xi32> to vector<16xi32>
    %gather3A_920 = tpu.dynamic_gather %add3A_914[%gather3A_919] in [0] : vector<16xf32>, vector<16xi32> -> vector<16xf32>
    %add3A_921 = arith.addf %add3A_914, %gather3A_920 : vector<16xf32>
    %xor3A_922 = arith.constant 4 : i32
    %xor3A_923 = vector.broadcast %xor3A_922 : i32 to vector<16xi32>
    %xor3A_924 = arith.xori %iota3A, %xor3A_923 : vector<16xi32>
    %broadcast_in_dim3A_925 = vector.shape_cast %xor3A_924 : vector<16xi32> to vector<16x1xi32>
    %gather3A_926 = vector.shape_cast %broadcast_in_dim3A_925 : vector<16x1xi32> to vector<16xi32>
    %gather3A_927 = tpu.dynamic_gather %add3A_921[%gather3A_926] in [0] : vector<16xf32>, vector<16xi32> -> vector<16xf32>
    %add3A_928 = arith.addf %add3A_921, %gather3A_927 : vector<16xf32>
    %xor3A_929 = arith.constant 2 : i32
    %xor3A_930 = vector.broadcast %xor3A_929 : i32 to vector<16xi32>
    %xor3A_931 = arith.xori %iota3A, %xor3A_930 : vector<16xi32>
    %broadcast_in_dim3A_932 = vector.shape_cast %xor3A_931 : vector<16xi32> to vector<16x1xi32>
    %gather3A_933 = vector.shape_cast %broadcast_in_dim3A_932 : vector<16x1xi32> to vector<16xi32>
    %gather3A_934 = tpu.dynamic_gather %add3A_928[%gather3A_933] in [0] : vector<16xf32>, vector<16xi32> -> vector<16xf32>
    %add3A_935 = arith.addf %add3A_928, %gather3A_934 : vector<16xf32>
    %xor3A_936 = arith.constant 1 : i32
    %xor3A_937 = vector.broadcast %xor3A_936 : i32 to vector<16xi32>
    %xor3A_938 = arith.xori %iota3A, %xor3A_937 : vector<16xi32>
    %broadcast_in_dim3A_939 = vector.shape_cast %xor3A_938 : vector<16xi32> to vector<16x1xi32>
    %gather3A_940 = vector.shape_cast %broadcast_in_dim3A_939 : vector<16x1xi32> to vector<16xi32>
    %gather3A_941 = tpu.dynamic_gather %add3A_935[%gather3A_940] in [0] : vector<16xf32>, vector<16xi32> -> vector<16xf32>
    %add3A_942 = arith.addf %add3A_935, %gather3A_941 : vector<16xf32>
    %eq3A_943 = arith.constant 9 : i32
    %eq3A_944 = vector.broadcast %eq3A_943 : i32 to vector<16xi32>
    %eq3A_945 = arith.cmpi eq, %iota3A, %eq3A_944 : vector<16xi32>
    %select_n3A_946 = arith.select %eq3A_945, %add3A_942, %select_n3A_859 : vector<16xi1>, vector<16xf32>
    %get3A_947 = arith.constant 10 : i32
    %get3A_948 = arith.index_cast %get3A_947 : i32 to index
    %get3A_949 = arith.constant 0 : index
    %get3A_950 = tpu.vector_load %arg8[%get3A_948, %get3A_949] {strides = array<i32>} : memref<16x128xf32, #tpu.memory_space<vmem>>, vector<1x16xf32>,
    %get3A_951 = vector.shape_cast %get3A_950 : vector<1x16xf32> to vector<16xf32>
    %mul3A_952 = arith.mulf %get3A_951, %get3A_42 : vector<16xf32>
    %get3A_953 = arith.constant 10 : i32
    %get3A_954 = arith.index_cast %get3A_953 : i32 to index
    %get3A_955 = arith.constant 16 : index
    %get3A_956 = tpu.vector_load %arg8[%get3A_954, %get3A_955] {strides = array<i32>} : memref<16x128xf32, #tpu.memory_space<vmem>>, vector<1x16xf32>,
    %get3A_957 = vector.shape_cast %get3A_956 : vector<1x16xf32> to vector<16xf32>
    %mul3A_958 = arith.mulf %get3A_957, %get3A_47 : vector<16xf32>
    %add3A_959 = arith.addf %mul3A_952, %mul3A_958 : vector<16xf32>
    %get3A_960 = arith.constant 10 : i32
    %get3A_961 = arith.index_cast %get3A_960 : i32 to index
    %get3A_962 = arith.constant 32 : index
    %get3A_963 = tpu.vector_load %arg8[%get3A_961, %get3A_962] {strides = array<i32>} : memref<16x128xf32, #tpu.memory_space<vmem>>, vector<1x16xf32>,
    %get3A_964 = vector.shape_cast %get3A_963 : vector<1x16xf32> to vector<16xf32>
    %mul3A_965 = arith.mulf %get3A_964, %get3A_52 : vector<16xf32>
    %add3A_966 = arith.addf %add3A_959, %mul3A_965 : vector<16xf32>
    %get3A_967 = arith.constant 10 : i32
    %get3A_968 = arith.index_cast %get3A_967 : i32 to index
    %get3A_969 = arith.constant 48 : index
    %get3A_970 = tpu.vector_load %arg8[%get3A_968, %get3A_969] {strides = array<i32>} : memref<16x128xf32, #tpu.memory_space<vmem>>, vector<1x16xf32>,
    %get3A_971 = vector.shape_cast %get3A_970 : vector<1x16xf32> to vector<16xf32>
    %mul3A_972 = arith.mulf %get3A_971, %get3A_57 : vector<16xf32>
    %add3A_973 = arith.addf %add3A_966, %mul3A_972 : vector<16xf32>
    %get3A_974 = arith.constant 10 : i32
    %get3A_975 = arith.index_cast %get3A_974 : i32 to index
    %get3A_976 = arith.constant 64 : index
    %get3A_977 = tpu.vector_load %arg8[%get3A_975, %get3A_976] {strides = array<i32>} : memref<16x128xf32, #tpu.memory_space<vmem>>, vector<1x16xf32>,
    %get3A_978 = vector.shape_cast %get3A_977 : vector<1x16xf32> to vector<16xf32>
    %mul3A_979 = arith.mulf %get3A_978, %get3A_62 : vector<16xf32>
    %add3A_980 = arith.addf %add3A_973, %mul3A_979 : vector<16xf32>
    %get3A_981 = arith.constant 10 : i32
    %get3A_982 = arith.index_cast %get3A_981 : i32 to index
    %get3A_983 = arith.constant 80 : index
    %get3A_984 = tpu.vector_load %arg8[%get3A_982, %get3A_983] {strides = array<i32>} : memref<16x128xf32, #tpu.memory_space<vmem>>, vector<1x16xf32>,
    %get3A_985 = vector.shape_cast %get3A_984 : vector<1x16xf32> to vector<16xf32>
    %mul3A_986 = arith.mulf %get3A_985, %get3A_67 : vector<16xf32>
    %add3A_987 = arith.addf %add3A_980, %mul3A_986 : vector<16xf32>
    %get3A_988 = arith.constant 10 : i32
    %get3A_989 = arith.index_cast %get3A_988 : i32 to index
    %get3A_990 = arith.constant 96 : index
    %get3A_991 = tpu.vector_load %arg8[%get3A_989, %get3A_990] {strides = array<i32>} : memref<16x128xf32, #tpu.memory_space<vmem>>, vector<1x16xf32>,
    %get3A_992 = vector.shape_cast %get3A_991 : vector<1x16xf32> to vector<16xf32>
    %mul3A_993 = arith.mulf %get3A_992, %get3A_72 : vector<16xf32>
    %add3A_994 = arith.addf %add3A_987, %mul3A_993 : vector<16xf32>
    %get3A_995 = arith.constant 10 : i32
    %get3A_996 = arith.index_cast %get3A_995 : i32 to index
    %get3A_997 = arith.constant 112 : index
    %get3A_998 = tpu.vector_load %arg8[%get3A_996, %get3A_997] {strides = array<i32>} : memref<16x128xf32, #tpu.memory_space<vmem>>, vector<1x16xf32>,
    %get3A_999 = vector.shape_cast %get3A_998 : vector<1x16xf32> to vector<16xf32>
    %mul3A_1000 = arith.mulf %get3A_999, %get3A_77 : vector<16xf32>
    %add3A_1001 = arith.addf %add3A_994, %mul3A_1000 : vector<16xf32>
    %xor3A_1002 = arith.constant 8 : i32
    %xor3A_1003 = vector.broadcast %xor3A_1002 : i32 to vector<16xi32>
    %xor3A_1004 = arith.xori %iota3A, %xor3A_1003 : vector<16xi32>
    %broadcast_in_dim3A_1005 = vector.shape_cast %xor3A_1004 : vector<16xi32> to vector<16x1xi32>
    %gather3A_1006 = vector.shape_cast %broadcast_in_dim3A_1005 : vector<16x1xi32> to vector<16xi32>
    %gather3A_1007 = tpu.dynamic_gather %add3A_1001[%gather3A_1006] in [0] : vector<16xf32>, vector<16xi32> -> vector<16xf32>
    %add3A_1008 = arith.addf %add3A_1001, %gather3A_1007 : vector<16xf32>
    %xor3A_1009 = arith.constant 4 : i32
    %xor3A_1010 = vector.broadcast %xor3A_1009 : i32 to vector<16xi32>
    %xor3A_1011 = arith.xori %iota3A, %xor3A_1010 : vector<16xi32>
    %broadcast_in_dim3A_1012 = vector.shape_cast %xor3A_1011 : vector<16xi32> to vector<16x1xi32>
    %gather3A_1013 = vector.shape_cast %broadcast_in_dim3A_1012 : vector<16x1xi32> to vector<16xi32>
    %gather3A_1014 = tpu.dynamic_gather %add3A_1008[%gather3A_1013] in [0] : vector<16xf32>, vector<16xi32> -> vector<16xf32>
    %add3A_1015 = arith.addf %add3A_1008, %gather3A_1014 : vector<16xf32>
    %xor3A_1016 = arith.constant 2 : i32
    %xor3A_1017 = vector.broadcast %xor3A_1016 : i32 to vector<16xi32>
    %xor3A_1018 = arith.xori %iota3A, %xor3A_1017 : vector<16xi32>
    %broadcast_in_dim3A_1019 = vector.shape_cast %xor3A_1018 : vector<16xi32> to vector<16x1xi32>
    %gather3A_1020 = vector.shape_cast %broadcast_in_dim3A_1019 : vector<16x1xi32> to vector<16xi32>
    %gather3A_1021 = tpu.dynamic_gather %add3A_1015[%gather3A_1020] in [0] : vector<16xf32>, vector<16xi32> -> vector<16xf32>
    %add3A_1022 = arith.addf %add3A_1015, %gather3A_1021 : vector<16xf32>
    %xor3A_1023 = arith.constant 1 : i32
    %xor3A_1024 = vector.broadcast %xor3A_1023 : i32 to vector<16xi32>
    %xor3A_1025 = arith.xori %iota3A, %xor3A_1024 : vector<16xi32>
    %broadcast_in_dim3A_1026 = vector.shape_cast %xor3A_1025 : vector<16xi32> to vector<16x1xi32>
    %gather3A_1027 = vector.shape_cast %broadcast_in_dim3A_1026 : vector<16x1xi32> to vector<16xi32>
    %gather3A_1028 = tpu.dynamic_gather %add3A_1022[%gather3A_1027] in [0] : vector<16xf32>, vector<16xi32> -> vector<16xf32>
    %add3A_1029 = arith.addf %add3A_1022, %gather3A_1028 : vector<16xf32>
    %eq3A_1030 = arith.constant 10 : i32
    %eq3A_1031 = vector.broadcast %eq3A_1030 : i32 to vector<16xi32>
    %eq3A_1032 = arith.cmpi eq, %iota3A, %eq3A_1031 : vector<16xi32>
    %select_n3A_1033 = arith.select %eq3A_1032, %add3A_1029, %select_n3A_946 : vector<16xi1>, vector<16xf32>
    %mul3A_1034 = arith.constant 2.000000e+00 : f32
    %mul3A_1035 = vector.broadcast %mul3A_1034 : f32 to vector<16xf32>
    %mul3A_1036 = arith.mulf %mul3A_1035, %convert_element_type3A : vector<16xf32>
    %sub3A_1037 = arith.constant 1.000000e+00 : f32
    %sub3A_1038 = vector.broadcast %sub3A_1037 : f32 to vector<16xf32>
    %sub3A_1039 = arith.subf %sub3A_1038, %mul3A_1036 : vector<16xf32>
    %mul3A_1040 = arith.mulf %sub3A_1039, %select_n3A_1033 : vector<16xf32>
    %abs3A = math.absf %mul3A_1040 : vector<16xf32>
    %neg3A = arith.constant 0.000000e+00 : f32
    %neg3A_1041 = vector.broadcast %neg3A : f32 to vector<16xf32>
    %neg3A_1042 = arith.subf %neg3A_1041, %abs3A : vector<16xf32>
    %exp3A = math.exp %neg3A_1042 : vector<16xf32>
    %add3A_1043 = arith.constant 1.000000e+00 : f32
    %add3A_1044 = vector.broadcast %add3A_1043 : f32 to vector<16xf32>
    %add3A_1045 = arith.addf %add3A_1044, %exp3A : vector<16xf32>
    %max3A = arith.constant 0.000000e+00 : f32
    %max3A_1046 = vector.broadcast %max3A : f32 to vector<16xf32>
    %max3A_1047 = arith.maximumf %mul3A_1040, %max3A_1046 : vector<16xf32>
    %bitcast_convert_type3A = tpu.bitcast %add3A_1045 : vector<16xf32> -> vector<16xi32>
    %shift_right_logical3A_1048 = arith.constant 23 : i32
    %shift_right_logical3A_1049 = vector.broadcast %shift_right_logical3A_1048 : i32 to vector<16xi32>
    %shift_right_logical3A_1050 = arith.shrui %bitcast_convert_type3A, %shift_right_logical3A_1049 : vector<16xi32>
    %sub3A_1051 = arith.constant 127 : i32
    %sub3A_1052 = vector.broadcast %sub3A_1051 : i32 to vector<16xi32>
    %sub3A_1053 = arith.subi %shift_right_logical3A_1050, %sub3A_1052 : vector<16xi32>
    %convert_element_type3A_1054 = arith.sitofp %sub3A_1053 : vector<16xi32> to vector<16xf32>
    %and3A_1055 = arith.constant 8388607 : i32
    %and3A_1056 = vector.broadcast %and3A_1055 : i32 to vector<16xi32>
    %and3A_1057 = arith.andi %bitcast_convert_type3A, %and3A_1056 : vector<16xi32>
    %or3A = arith.constant 1065353216 : i32
    %or3A_1058 = vector.broadcast %or3A : i32 to vector<16xi32>
    %or3A_1059 = arith.ori %and3A_1057, %or3A_1058 : vector<16xi32>
    %bitcast_convert_type3A_1060 = tpu.bitcast %or3A_1059 : vector<16xi32> -> vector<16xf32>
    %sub3A_1061 = arith.constant 1.000000e+00 : f32
    %sub3A_1062 = vector.broadcast %sub3A_1061 : f32 to vector<16xf32>
    %sub3A_1063 = arith.subf %bitcast_convert_type3A_1060, %sub3A_1062 : vector<16xf32>
    %add3A_1064 = arith.constant 1.000000e+00 : f32
    %add3A_1065 = vector.broadcast %add3A_1064 : f32 to vector<16xf32>
    %add3A_1066 = arith.addf %bitcast_convert_type3A_1060, %add3A_1065 : vector<16xf32>
    %div3A = arith.divf %sub3A_1063, %add3A_1066 : vector<16xf32>
    %mul3A_1067 = arith.mulf %div3A, %div3A : vector<16xf32>
    %mul3A_1068 = arith.constant 2.000000e+00 : f32
    %mul3A_1069 = vector.broadcast %mul3A_1068 : f32 to vector<16xf32>
    %mul3A_1070 = arith.mulf %mul3A_1069, %div3A : vector<16xf32>
    %div3A_1071 = arith.constant 9.000000e+00 : f32
    %div3A_1072 = vector.broadcast %div3A_1071 : f32 to vector<16xf32>
    %div3A_1073 = arith.divf %mul3A_1067, %div3A_1072 : vector<16xf32>
    %add3A_1074 = arith.constant 0.142857149 : f32
    %add3A_1075 = vector.broadcast %add3A_1074 : f32 to vector<16xf32>
    %add3A_1076 = arith.addf %add3A_1075, %div3A_1073 : vector<16xf32>
    %mul3A_1077 = arith.mulf %mul3A_1067, %add3A_1076 : vector<16xf32>
    %add3A_1078 = arith.constant 2.000000e-01 : f32
    %add3A_1079 = vector.broadcast %add3A_1078 : f32 to vector<16xf32>
    %add3A_1080 = arith.addf %add3A_1079, %mul3A_1077 : vector<16xf32>
    %mul3A_1081 = arith.mulf %mul3A_1067, %add3A_1080 : vector<16xf32>
    %add3A_1082 = arith.constant 0.333333343 : f32
    %add3A_1083 = vector.broadcast %add3A_1082 : f32 to vector<16xf32>
    %add3A_1084 = arith.addf %add3A_1083, %mul3A_1081 : vector<16xf32>
    %mul3A_1085 = arith.mulf %mul3A_1067, %add3A_1084 : vector<16xf32>
    %add3A_1086 = arith.constant 1.000000e+00 : f32
    %add3A_1087 = vector.broadcast %add3A_1086 : f32 to vector<16xf32>
    %add3A_1088 = arith.addf %add3A_1087, %mul3A_1085 : vector<16xf32>
    %mul3A_1089 = arith.mulf %mul3A_1070, %add3A_1088 : vector<16xf32>
    %mul3A_1090 = arith.constant 0.693147182 : f32
    %mul3A_1091 = vector.broadcast %mul3A_1090 : f32 to vector<16xf32>
    %mul3A_1092 = arith.mulf %convert_element_type3A_1054, %mul3A_1091 : vector<16xf32>
    %add3A_1093 = arith.addf %mul3A_1092, %mul3A_1089 : vector<16xf32>
    %add3A_1094 = arith.addf %max3A_1047, %add3A_1093 : vector<16xf32>
    %jit3A_1095 = arith.constant 0.000000e+00 : f32
    %broadcast_in_dim3A_1096 = vector.broadcast %jit3A_1095 : f32 to vector<16xf32>
    %select_n3A_1097 = arith.select %gt3A_14, %add3A_1094, %broadcast_in_dim3A_1096 : vector<16xi1>, vector<16xf32>
    %xor3A_1098 = arith.constant 8 : i32
    %xor3A_1099 = vector.broadcast %xor3A_1098 : i32 to vector<16xi32>
    %xor3A_1100 = arith.xori %iota3A, %xor3A_1099 : vector<16xi32>
    %broadcast_in_dim3A_1101 = vector.shape_cast %xor3A_1100 : vector<16xi32> to vector<16x1xi32>
    %gather3A_1102 = vector.shape_cast %broadcast_in_dim3A_1101 : vector<16x1xi32> to vector<16xi32>
    %gather3A_1103 = tpu.dynamic_gather %select_n3A_1097[%gather3A_1102] in [0] : vector<16xf32>, vector<16xi32> -> vector<16xf32>
    %add3A_1104 = arith.addf %select_n3A_1097, %gather3A_1103 : vector<16xf32>
    %xor3A_1105 = arith.constant 4 : i32
    %xor3A_1106 = vector.broadcast %xor3A_1105 : i32 to vector<16xi32>
    %xor3A_1107 = arith.xori %iota3A, %xor3A_1106 : vector<16xi32>
    %broadcast_in_dim3A_1108 = vector.shape_cast %xor3A_1107 : vector<16xi32> to vector<16x1xi32>
    %gather3A_1109 = vector.shape_cast %broadcast_in_dim3A_1108 : vector<16x1xi32> to vector<16xi32>
    %gather3A_1110 = tpu.dynamic_gather %add3A_1104[%gather3A_1109] in [0] : vector<16xf32>, vector<16xi32> -> vector<16xf32>
    %add3A_1111 = arith.addf %add3A_1104, %gather3A_1110 : vector<16xf32>
    %xor3A_1112 = arith.constant 2 : i32
    %xor3A_1113 = vector.broadcast %xor3A_1112 : i32 to vector<16xi32>
    %xor3A_1114 = arith.xori %iota3A, %xor3A_1113 : vector<16xi32>
    %broadcast_in_dim3A_1115 = vector.shape_cast %xor3A_1114 : vector<16xi32> to vector<16x1xi32>
    %gather3A_1116 = vector.shape_cast %broadcast_in_dim3A_1115 : vector<16x1xi32> to vector<16xi32>
    %gather3A_1117 = tpu.dynamic_gather %add3A_1111[%gather3A_1116] in [0] : vector<16xf32>, vector<16xi32> -> vector<16xf32>
    %add3A_1118 = arith.addf %add3A_1111, %gather3A_1117 : vector<16xf32>
    %xor3A_1119 = arith.constant 1 : i32
    %xor3A_1120 = vector.broadcast %xor3A_1119 : i32 to vector<16xi32>
    %xor3A_1121 = arith.xori %iota3A, %xor3A_1120 : vector<16xi32>
    %broadcast_in_dim3A_1122 = vector.shape_cast %xor3A_1121 : vector<16xi32> to vector<16x1xi32>
    %gather3A_1123 = vector.shape_cast %broadcast_in_dim3A_1122 : vector<16x1xi32> to vector<16xi32>
    %gather3A_1124 = tpu.dynamic_gather %add3A_1118[%gather3A_1123] in [0] : vector<16xf32>, vector<16xi32> -> vector<16xf32>
    %add3A_1125 = arith.addf %add3A_1118, %gather3A_1124 : vector<16xf32>
    %swap3A_1126 = arith.constant 0 : index
    %swap3A_1127 = tpu.vector_load %arg10[%swap3A_1126] {strides = array<i32>} : memref<16xf32, #tpu.memory_space<vmem>>, vector<16xf32>,
    %swap3A_1128 = vector.shape_cast %swap3A_1127 : vector<16xf32> to vector<16xf32>
    %swap3A_1129 = vector.shape_cast %add3A_1125 : vector<16xf32> to vector<16xf32>
    tpu.vector_store %arg10[%swap3A_1126], %swap3A_1129 {strides = array<i32>} : memref<16xf32, #tpu.memory_space<vmem>>, vector<16xf32>,
    "tpu.region"() ({
      %run_scoped3A = tpu.sem_alloc : memref<!tpu.dma_semaphore, #tpu.memory_space<semaphore_mem>>
      %dma_start3A_1130 = arith.constant 0 : i32
      %dma_start3A_1131 = tpu.memref_slice %arg10[%dma_start3A_1130] : memref<16xf32, #tpu.memory_space<vmem>> -> memref<1xf32, #tpu.memory_space<vmem>>
      %dma_start3A_1132 = arith.constant 0 : i32
      %dma_start3A_1133 = tpu.memref_slice %arg10[%dma_start3A_1132] : memref<16xf32, #tpu.memory_space<vmem>> -> memref<1xf32, #tpu.memory_space<vmem>>
      tpu.enqueue_dma source(%dma_start3A_1133 : memref<1xf32, #tpu.memory_space<vmem>>) target(%arg5 : memref<1xf32, #tpu.memory_space<hbm>>) target_semaphore(%run_scoped3A : memref<!tpu.dma_semaphore, #tpu.memory_space<semaphore_mem>>)
      %dma_wait3A_1134 = arith.constant 0 : i32
      %dma_wait3A_1135 = tpu.memref_slice %arg10[%dma_wait3A_1134] : memref<16xf32, #tpu.memory_space<vmem>> -> memref<1xf32, #tpu.memory_space<vmem>>
      %dma_wait3A_1136 = arith.constant 0 : i32
      %dma_wait3A_1137 = tpu.memref_slice %arg10[%dma_wait3A_1136] : memref<16xf32, #tpu.memory_space<vmem>> -> memref<1xf32, #tpu.memory_space<vmem>>
      tpu.wait_dma2 semaphore(%run_scoped3A : memref<!tpu.dma_semaphore, #tpu.memory_space<semaphore_mem>>) src(%dma_wait3A_1137 : memref<1xf32, #tpu.memory_space<vmem>>) dst(%arg5 : memref<1xf32, #tpu.memory_space<hbm>>)
      tpu.yield
    }) : () -> ()
    return
  }
}

</mosaic_0001>

<sc_bundles>
// kernel: kernel.3.cloned.1.call-start
scs
__scs_entry_jumppad:
0x0: {  	(pc) =	sbr.rel $0x88, $3  }
0x1: {  	(tag) =	ssettag $0x0;
	lr =	simm.s32 $0x1  }
0x2: {  	[smem:$0x3F9D] =	sst lr;
	_ =	strace $0xD0000000  }
0x3: {  	_ = 	snop  }
0x4: {  	_ = 	snop  }
0x5: {  	_ = 	snop  }
0x6: {  	_ = 	snop  }
0x7: {  	_ = 	snop  }
__scs_overlays_trampoline_lowered:
0x8: {  	[smem:$0x3FAC] =	sst s0  }
0x9: {  	[smem:$0x3FAD] =	sst s1  }
0xa: {  	[smem:$0x3FAE] =	sst s2  }
0xb: {  	[smem:$0x3FAF] =	sst s3  }
0xc: {  	[smem:$0x3FB0] =	sst s4  }
0xd: {  	[smem:$0x3FB1] =	sst s5  }
0xe: {  	[smem:$0x3FB2] =	sst s6  }
0xf: {  	[smem:$0x3FB3] =	sst s7  }
0x10: {  	[smem:$0x3FB4] =	sst s8  }
0x11: {  	[smem:$0x3FB5] =	sst s9;
	s0 =	simm.s32 @!p0 $0x0  }
0x12: {  	s1 =	sld [smem:$0x3F9B];
	s0 =	simm.s32 @p0 $0x1  }
0x13: {  	[smem:$0x3FB6] =	sst s0;
	s0 =	simm.s32 @!p1 $0x0  }
0x14: {  	s2 =	sld [smem:$0x3F9A];
	s0 =	simm.s32 @p1 $0x1  }
0x15: {  	[smem:$0x3FB7] =	sst s0;
	s0 =	simm.s32 @!p2 $0x0  }
0x16: {  	s3 =	sld [smem:$0x3FDB];
	s0 =	simm.s32 @p2 $0x1  }
0x17: {  	s4 =	simm.s32 $0x1BF5;
	[smem:$0x3FB9] =	sst s0  }
0x18: {  	s0 =	sld [smem:$0x3F9C];
	_ =	swait.ge [sflag:s4], $0x0  }
0x19: {  	s7 =	sld [smem:$0x3F9D]  }
0x1a: {  	s8 =	sadd.s32 $0xFFFFE003, lr  }
0x1b: {  	s9 =	sadd.s32 $0xFFFFFEF7, lr;
	s5 =	simm.s32 $0xFFFFFFFF;
	p2 =	slt.u32 s8, $0xFFFFF086  }
0x1c: {  	p1 =	slt.u32 s9, $0xF7A;
	s5 =	simm.s32 @!p2 $0x0  }
0x1d: {  	s5 =	simm.s32 @p1 $0x1;
	p0 =	seq.s32 s7, s2  }
0x1e: {  	s7 =	smul.u32 @!p0 $0xF7A, s2;
	p2 =	seq.s32 @!p0 s5, $0x0  }
0x1f: {  	s9 =	smul.u32 $0xF7A, s1;
	s8 =	simm.s32 @!p0 $0x1BF5;
	p2 =	por !p2, p0  }
0x20: {  	[sflag:s8] =	ssyncset.s32 @!p0 $0xFFFFF086;
	s6 =	sadd.s32 @!p0 s3, s7;
	s7 =	simm.s32 @!p0 $0x108  }
0x21: {  	s3 =	sadd.s32 s3, s9;
	s6 =	sadd.s32 @!p0 $0x88, s6;
	s7 =	simm.s32 @p2 $0x1082  }
0x22: {  	[simem:s7], [sflag:s8] =	dma.local @!p0 [hbm:s6], $0xF7A  }
0x23: {  	s9 =	sor.u32 $0xD0000000, s2;
	s6 =	simm.s32 $0x108;
	_ =	swait.ge @!p0 [sflag:s8], $0x0  }
0x24: {  	s3 =	sadd.s32 $0x88, s3;
	s6 =	simm.s32 @!p1 $0x1082;
	[sflag:s4] =	ssyncset.s32 $0xFFFFF086  }
0x25: {  	[simem:s6], [sflag:s4] =	dma.local [hbm:s3], $0xF7A  }
0x26: {  	[smem:$0x3F9D] =	sst s1;
	(tag) =	ssettag s2;
	_ =	strace s9  }
0x27: {  	s1 =	sld [smem:$0x3FAD]  }
0x28: {  	s2 =	sld [smem:$0x3FAE]  }
0x29: {  	s4 =	sld [smem:$0x3FB0]  }
0x2a: {  	p0 =	seq.s32 s5, $0x0;
	s5 =	sld [smem:$0x3FB1]  }
0x2b: {  	s6 =	sld [smem:$0x3FB2]  }
0x2c: {  	s7 =	sld [smem:$0x3FB3]  }
0x2d: {  	s3 =	simm.s32 $0x108;
	s8 =	sld [smem:$0x3FB4]  }
0x2e: {  	s3 =	simm.s32 @!p0 $0x1082;
	s9 =	sld [smem:$0x3FB5]  }
0x2f: {  	lr =	sadd.s32 s0, s3;
	s0 =	sld [smem:$0x3FAC]  }
0x30: {  	s3 =	sld [smem:$0x3FAF]  }
0x31: {  	[smem:$0x3FB8] =	sst s10  }
0x32: {  	s10 =	sld [smem:$0x3FB6];
	_ =	sdelay $0x3  }
0x33: {  	p0 =	seq.s32 s10, $0x1;
	s10 =	sld [smem:$0x3FB8];
	_ =	sdelay $0x3  }
0x34: {  	[smem:$0x3FB8] =	sst s10  }
0x35: {  	s10 =	sld [smem:$0x3FB7];
	_ =	sdelay $0x3  }
0x36: {  	p1 =	seq.s32 s10, $0x1;
	s10 =	sld [smem:$0x3FB8];
	_ =	sdelay $0x3  }
0x37: {  	[smem:$0x3FB8] =	sst s10  }
0x38: {  	s10 =	sld [smem:$0x3FB9]  }
0x39: {  	_ = 	snop;
	(pc) =	sbr.ind lr, $3  }
0x3a: {  	_ = 	snop  }
0x3b: {  	_ = 	snop  }
0x3c: {  	p2 =	seq.s32 s10, $0x1;
	s10 =	sld [smem:$0x3FB8]  }
0x3d: {  	_ =	shalt  }
0x3e: {  	_ =	shalt  }
0x3f: {  	_ =	shalt  }
0x40: {  	_ =	shalt  }
0x41: {  	_ =	shalt  }
0x42: {  	_ =	shalt  }
0x43: {  	_ =	shalt  }
0x44: {  	_ =	shalt  }
0x45: {  	_ =	shalt  }
0x46: {  	_ =	shalt  }
0x47: {  	_ =	shalt  }
0x48: {  	_ =	shalt  }
0x49: {  	_ =	shalt  }
0x4a: {  	_ =	shalt  }
0x4b: {  	_ =	shalt  }
0x4c: {  	_ =	shalt  }
0x4d: {  	_ =	shalt  }
0x4e: {  	_ =	shalt  }
0x4f: {  	_ =	shalt  }
0x50: {  	_ =	shalt  }
0x51: {  	_ =	shalt  }
0x52: {  	_ =	shalt  }
0x53: {  	_ =	shalt  }
0x54: {  	_ =	shalt  }
0x55: {  	_ =	shalt  }
0x56: {  	_ =	shalt  }
0x57: {  	_ =	shalt  }
0x58: {  	_ =	shalt  }
0x59: {  	_ =	shalt  }
0x5a: {  	_ =	shalt  }
0x5b: {  	_ =	shalt  }
0x5c: {  	_ =	shalt  }
0x5d: {  	_ =	shalt  }
0x5e: {  	_ =	shalt  }
0x5f: {  	_ =	shalt  }
0x60: {  	_ =	shalt  }
0x61: {  	_ =	shalt  }
0x62: {  	_ =	shalt  }
0x63: {  	_ =	shalt  }
0x64: {  	_ =	shalt  }
0x65: {  	_ =	shalt  }
0x66: {  	_ =	shalt  }
0x67: {  	_ =	shalt  }
0x68: {  	_ =	shalt  }
0x69: {  	_ =	shalt  }
0x6a: {  	_ =	shalt  }
0x6b: {  	_ =	shalt  }
0x6c: {  	_ =	shalt  }
0x6d: {  	_ =	shalt  }
0x6e: {  	_ =	shalt  }
0x6f: {  	_ =	shalt  }
0x70: {  	_ =	shalt  }
0x71: {  	_ =	shalt  }
0x72: {  	_ =	shalt  }
0x73: {  	_ =	shalt  }
0x74: {  	_ =	shalt  }
0x75: {  	_ =	shalt  }
0x76: {  	_ =	shalt  }
0x77: {  	_ =	shalt  }
0x78: {  	_ =	shalt  }
0x79: {  	_ =	shalt  }
0x7a: {  	_ =	shalt  }
0x7b: {  	_ =	shalt  }
0x7c: {  	_ =	shalt  }
0x7d: {  	_ =	shalt  }
0x7e: {  	_ =	shalt  }
0x7f: {  	_ =	shalt  }
0x80: {  	_ =	shalt  }
0x81: {  	_ =	shalt  }
0x82: {  	_ =	shalt  }
0x83: {  	_ =	shalt  }
0x84: {  	_ =	shalt  }
0x85: {  	_ =	shalt  }
0x86: {  	_ =	shalt  }
0x87: {  	_ =	shalt  }
.Lfunc_end0:
.L_simem_size_0:
called_computation_lowered:
.L_overlay_start_0:
0x88: {  	s0 =	sld [smem:$0x3FD9]  }
0x89: {  	s1 =	sld [smem:$0x3FFE];
	_ =	sdelay $0x3  }
0x8a: {  	s0 =	sadd.s32 s1, s0  }
0x8b: {  	[smem:$0x3FC4] =	sst s0  }
0x8c: {  	_ = 	snop  }
0x8d: {  	s0 =	sld [smem:$0x3FC7]  }
0x8e: {  	s16 =	sld [smem:$0x3FC6]  }
0x8f: {  	s2 =	sld [smem:$0x3FD0];
	(tm) =	ssettm $0x1  }
0x90: {  	s3 =	sld [smem:$0x3FFB];
	_ =	sdelay $0x3  }
0x91: {  	_ =	strace s3  }
0x92: {  	s3 =	sld [smem:$0x3FFC];
	_ =	sdelay $0x3  }
0x93: {  	_ =	strace s3  }
0x94: {  	s3 =	sld [smem:$0x3FFD];
	_ =	sdelay $0x3  }
0x95: {  	_ =	strace s3  }
0x96: {  	_ =	strace $0x8FFFFFFF  }
0x97: {  	s17 =	sld [smem:$0x3FDB];
	_ =	sdelay $0x1  }
0x98: {  	s4 =	simm.s32 $_scs_section_size  }
0x99: {  	s5 =	simm.s32 $_size__tile_overlayer_lowered;
	s6 =	simm.s32 $_tile_overlayer_lowered  }
0x9a: {  	s20 =	simm.s32 $0x1BFF;
	s19 =	sshll.u32 s6, $0x1;
	s3 =	sadd.s32 s4, s17  }
0x9b: {  	s7 =	simm.s32 $0x0;
	s18 =	sshll.u32 s5, $0x1;
	s5 =	sadd.s32 s19, s3  }
0x9c: {  	[timem:s7], [sflag:s20] =	dma.local [hbm:s5], s18  }
0x9d: {  	_ =	swait.ge [sflag:s20], s18  }
0x9e: {  	s4 =	ssub.s32 $0x0, s18;
	[sflag:s20] =	ssyncset.done $0x0  }
0x9f: {  	[sflag:s20] =	ssyncadd.s32 s4;
	_ =	sdelay $0x1  }
0xa0: {  	s21 =	simm.s32 $0x1B8B  }
0xa1: {  	_ =	swait.ge [sflag:s21], $0x1  }
0xa2: {  	[sflag:s21] =	ssyncset.done $0x0  }
0xa3: {  	s23 =	simm.s32 $0x1B8E;
	s22 =	sld [smem:$0x3FFE];
	[sflag:s21] =	ssyncadd.s32 $0xFFFFFFFF  }
0xa4: {  	s24 =	simm.s32 $execute0_lowered;
	[smem:$0x3FD2] =	sst s23  }
0xa5: {  	s5 =	sshll.u32 s24, $0x1;
	_ =	strace $0x80000046;
	[dreg:$0x1] =	wrdreg $0xFFFFFFFF  }
0xa6: {  	s25 =	simm.s32 $_size_execute0_lowered;
	s3 =	sadd.s32 s3, s5;
	[dreg:$0x0] =	wrdreg $0x0  }
0xa7: {  	s5 =	sshll.u32 s25, $0x1;
	[dreg:$0x2] =	wrdreg s3  }
0xa8: {  	[dreg:$0x3] =	wrdreg s5  }
0xa9: {  	[dreg:$0x4] =	wrdreg $0xC0  }
0xaa: {  	_ =	task [dreg:s7], $0x5FFFF  }
0xab: {  	[dreg:$0x1] =	wrdreg $0xFFFFFFFF  }
0xac: {  	[dreg:$0x0] =	wrdreg $0x60  }
0xad: {  	[dreg:$0x2] =	wrdreg s22  }
0xae: {  	[dreg:$0x3] =	wrdreg s0  }
0xaf: {  	[dreg:$0x4] =	wrdreg s16  }
0xb0: {  	[dreg:$0x5] =	wrdreg s2  }
0xb1: {  	[dreg:$0x6] =	wrdreg $0x9  }
0xb2: {  	_ =	task.clear_ibuf [dreg:s7], $0x7FFFF;
	_ =	strace $0x90000046  }
0xb3: {  	s26 =	simm.s32 $0x9;
	_ =	strace $0x80000048  }
0xb4: {  	_ =	swait.ge [sflag:s26], $0x1  }
0xb5: {  	[sflag:s26] =	ssyncadd.s32 $0xFFFFFFFF  }
0xb6: {  	_ =	strace $0x90000048  }
0xb7: {  	_ =	sfence  }
0xb8: {  	s28 =	sld [smem:$0x0];
	_ =	sdelay $0x1  }
0xb9: {  	s29 =	srdreg.scid  }
0xba: {  	s30 =	sshll.u32 s29, $0xD;
	s31 =	sshrl.u32 s29, $0x2  }
0xbb: {  	s1 =	sand.u32 $0x1, s29;
	s2 =	sand.u32 $0x4000, s30;
	s0 =	sadd.s32 s31, s28  }
0xbc: {  	s1 =	sor.u32 s2, s1;
	s0 =	sshll.u32 s0, $0x11  }
0xbd: {  	s0 =	sor.u32 s0, s1  }
0xbe: {  	s0 =	sadd.s32 $0x8F2B, s0  }
0xbf: {  	[sflag:s0] =	ssyncadd.remote.s32 $0x1  }
0xc0: {  	_ =	sfence.sel $0xFFFF  }
0xc1: {  	[dreg:$0x0] =	wrdreg $0xFFFFFFFF;
	(pc) =	sbr.abs _section_cstart, $3  }
0xc2: {  	[dreg:$0x1] =	wrdreg $0xFFFFFFFF  }
0xc3: {  	_ =	task.clear_ibuf [dreg:s7], $0x2FFFF;
	_ =	strace $0x9FFFFFFF  }
0xc4: {  	(tm) =	ssettm $0x7FFFFFFF  }
0xc5: {  	_ =	shalt  }
tec
execute0_lowered:
.L_overlay_start_1:
0x0: {  	(tag) =	ssettag $0x1  }
0x1: {  	s3 =	stileid.u32  }
0x2: {  	p0 =	sne.s32 s3, $0x0  }
.Ltmp0:
0x3: {  	s2 =	rddreg [dreg:$0x0];
	(pc) =	sbr.rel @p0 .LBB2_2-.Ltmp0, $4  }
0x4: {  	s5 =	rddreg [dreg:$0x1]  }
0x5: {  	s4 =	rddreg [dreg:$0x2]  }
0x6: {  	s1 =	rddreg [dreg:$0x3]  }
0x7: {  	s0 =	rddreg [dreg:$0x4];
	_ =	strace $0x80000047  }
0x8: {  	v0 =	vimm.f32 $9.000000000e+00  }
0x9: {  	(erf) = vrcp.f32 v0;
	_ =	sdelay $0x7  }
0xa: {  	s3 =	sadd.s32 $0x600, s2;
	s24 =	simm.s32 $0x0;
	s25 =	simm.s32 $0x2  }
0xb: {  	[tilespmem:s24], [sflag:$0x2] =	stream.linear.gather [hbm4b:s3+s24], $0x80, $0x38;
	v0 =	vpop (erf);
	[tilespmem:$0xD80] =	vst v63  }
0xc: {  	_ =	swait.ge [sflag:s25], $0x80  }
0xd: {  	[sflag:s25] =	ssyncset.done $0x0  }
0xe: {  	s6 =	simm.s32 $0x8;
	s7 =	simm.s32 $0x900;
	[sflag:s25] =	ssyncadd.s32 $0xFFFFFF80  }
0xf: {  	[tilespmem:s7], [sflag:$0x1] =	stream.indirect.gather [hbm4b:s5+s6], $0x80, s24, s6, $0xb8;
	[tilespmem:$0xD80] =	vst v63  }
0x10: {  	v1 =	vld [tilespmem:$0x0];
	_ =	sdelay $0x3  }
0x11: {  	v2 =	vimm.s32 $0x0  }
0x12: {  	v1 =	vperm.xlane v1, v2;
	_ =	sdelay $0x1  }
0x13: {  	v41 =	vlaneseq.u32;
	v1 =	vadd.s32 $0x3E8, v1  }
0x14: {  	v2 =	vadd.s32 $0x1, v41;
	v3 =	vshrl.u32 v1, v41  }
0x15: {  	v1 =	vshrl.u32 v1, v2;
	v4 =	vadd.s32 $0xFFFFFFFF, v3  }
0x16: {  	v1 =	vadd.s32 $0xFFFFFFFF, v1;
	vm0 =	vgt.s32 v4, $0x0  }
0x17: {  	s26 =	simm.s32 $0x10;
	v1 =	vnsel vm0, $0x0, v1  }
0x18: {  	s28 =	simm.s32 $0x80;
	s29 =	simm.s32 $0x100;
	s30 =	simm.s32 $0x1;
	[tilespmem:$0x80] =	vst v1  }
0x19: {  	[tilespmem:s29], [sflag:$0x1] =	stream.indirect.gather [hbm4b:s4+s26], $0x80, s28, s26, $0xb8;
	[tilespmem:$0xD80] =	vst v63  }
0x1a: {  	_ =	swait.ge [sflag:s30], $0x400  }
0x1b: {  	[sflag:s30] =	ssyncset.done $0x0  }
0x1c: {  	[sflag:s30] =	ssyncadd.s32 $0xFFFFFC00  }
0x1d: {  	_ =	swait.ge [sflag:s30], $0x800  }
0x1e: {  	[sflag:s30] =	ssyncset.done $0x0  }
0x1f: {  	[sflag:s30] =	ssyncadd.s32 $0xFFFFF800  }
0x20: {  	v11 =	vld [tilespmem:$0x980]  }
0x21: {  	v12 =	vld [tilespmem:$0x990]  }
0x22: {  	v42 =	vld [tilespmem:$0x100]  }
0x23: {  	v43 =	vld [tilespmem:$0x110]  }
0x24: {  	v10 =	vld [tilespmem:$0x9A0]  }
0x25: {  	v44 =	vld [tilespmem:$0x120]  }
0x26: {  	v9 =	vld [tilespmem:$0x9B0]  }
0x27: {  	v5 =	vld [tilespmem:$0x130]  }
0x28: {  	v8 =	vld [tilespmem:$0x9C0]  }
0x29: {  	v13 =	vld [tilespmem:$0x140]  }
0x2a: {  	v6 =	vld [tilespmem:$0x9D0]  }
0x2b: {  	v46 =	vld [tilespmem:$0x150]  }
0x2c: {  	v7 =	vld [tilespmem:$0x9E0]  }
0x2d: {  	v49 =	vld [tilespmem:$0x160]  }
0x2e: {  	v51 =	vld [tilespmem:$0x170]  }
0x2f: {  	v14 =	vld [tilespmem:$0x180]  }
0x30: {  	v15 =	vld [tilespmem:$0x190]  }
0x31: {  	v52 =	vimm.s32 $0xFEDCBA98;
	v17 =	vld [tilespmem:$0x1A0]  }
0x32: {  	v16 =	vimm.s32 $0x76543210;
	v19 =	vimm.s32 $0xBA98FEDC;
	v18 =	vld [tilespmem:$0x1B0]  }
0x33: {  	v20 =	vimm.s32 $0x32107654;
	v24 =	vimm.s32 $0xDCFE98BA;
	v53 =	vld [tilespmem:$0x1C0]  }
0x34: {  	v25 =	vimm.s32 $0x54761032;
	v29 =	vimm.s32 $0xEFCDAB89;
	v21 =	vld [tilespmem:$0x1D0]  }
0x35: {  	v31 =	vimm.s32 $0x67452301;
	vm1 =	vmmov $0x1;
	vm6 =	vcmask $0x32C;
	v22 =	vld [tilespmem:$0x1E0]  }
0x36: {  	v19 =	vunpack.c.l.s4.s8 v19;
	v58 =	vunpack.c.l.s4.s8 v24;
	v59 =	vunpack.c.l.s4.s8 v25;
	v57 =	vld [tilespmem:$0x200]  }
0x37: {  	vm7 =	vcmask $0x72C;
	vm8 =	vcmask $0xB2C;
	vm9 =	vcmask $0xF2C;
	v26 =	vld [tilespmem:$0x210]  }
0x38: {  	v55 =	vunpack.c.0.s8.s32 v19;
	v19 =	vunpack.c.0.s8.s32 v58;
	v24 =	vunpack.c.0.s8.s32 v59;
	v60 =	vld [tilespmem:$0x220]  }
0x39: {  	vm10 =	vcmask $0x132C;
	vm11 =	vcmask $0x172C;
	vm12 =	vcmask $0x1B2C;
	v61 =	vld [tilespmem:$0x230]  }
0x3a: {  	v16 =	vunpack.c.l.s4.s8 v16;
	v19 =	vcombine.low v24, v19;
	v27 =	vld [tilespmem:$0x240];
	v1 =	vmul.f32 v42, v11  }
0x3b: {  	v20 =	vunpack.c.l.s4.s8 v20;
	v63 =	vld [tilespmem:$0x250];
	v2 =	vmul.f32 v43, v12;
	v45 =	vmul.f32 v44, v10  }
0x3c: {  	v29 =	vunpack.c.l.s4.s8 v29;
	v33 =	vld [tilespmem:$0x260];
	v47 =	vmul.f32 v5, v9;
	v48 =	vmul.f32 v13, v8  }
0x3d: {  	v16 =	vunpack.c.0.s8.s32 v16;
	v35 =	vld [tilespmem:$0x280];
	v50 =	vmul.f32 v46, v6;
	v13 =	vmul.f32 v49, v7  }
0x3e: {  	v39 =	vld [tilespmem:$0x270];
	v14 =	vmul.f32 v14, v11;
	v15 =	vmul.f32 v15, v12;
	v1 =	vadd.f32 v2, v1  }
0x3f: {  	v56 =	vunpack.c.0.s8.s32 v20;
	v41 =	vld [tilespmem:$0x2A0];
	v62 =	vmul.f32 v17, v10;
	v34 =	vmul.f32 v18, v9  }
0x40: {  	v5 =	vld [tilespmem:$0x9F0];
	v36 =	vmul.f32 v57, v11;
	v37 =	vmul.f32 v26, v12;
	v1 =	vadd.f32 v45, v1  }
0x41: {  	v29 =	vunpack.c.0.s8.s32 v29;
	v40 =	vmul.f32 v60, v10;
	v44 =	vmul.f32 v61, v9;
	v61 =	vld [tilespmem:$0x2F0]  }
0x42: {  	v42 =	vmul.f32 v21, v6;
	v24 =	vmul.f32 v33, v7;
	v33 =	vld [tilespmem:$0x350];
	v1 =	vadd.f32 v47, v1  }
0x43: {  	v38 =	vld [tilespmem:$0x290];
	v46 =	vmul.f32 v35, v11;
	v22 =	vmul.f32 v22, v7;
	v14 =	vadd.f32 v15, v14  }
0x44: {  	v49 =	vmul.f32 v27, v8;
	v2 =	vunpack.c.l.s4.s8 v52;
	v52 =	vld [tilespmem:$0x320];
	v1 =	vadd.f32 v48, v1  }
0x45: {  	v17 =	vmul.f32 v63, v6;
	v14 =	vadd.f32 v62, v14;
	v45 =	vld [tilespmem:$0x300];
	v3 =	vmul.f32 v51, v5  }
0x46: {  	v51 =	vmul.f32 v41, v10;
	v15 =	vmul.f32 v39, v5;
	v48 =	vld [tilespmem:$0x310];
	v1 =	vadd.f32 v50, v1  }
0x47: {  	v54 =	vld [tilespmem:$0x1F0];
	v2 =	vunpack.c.0.s8.s32 v2;
	v39 =	vmul.f32 v61, v5;
	v20 =	vmul.f32 v33, v6  }
0x48: {  	v43 =	vld [tilespmem:$0x2B0];
	v14 =	vadd.f32 v34, v14;
	v1 =	vadd.f32 v13, v1;
	v13 =	vmul.f32 v53, v8  }
0x49: {  	v2 =	vand.u32 $0xF, v2;
	v47 =	vmul.f32 v38, v12;
	v62 =	vmul.f32 v52, v10;
	v50 =	vld [tilespmem:$0x2C0]  }
0x4a: {  	v3 =	vadd.f32 v3, v1;
	v1 =	vcombine.low v2, v16;
	v13 =	vadd.f32 v13, v14  }
0x4b: {  	v57 =	vmul.f32 v45, v11;
	v53 =	vld [tilespmem:$0x2D0];
	v58 =	vmul.f32 v48, v12;
	v14 =	vadd.f32 v47, v46  }
0x4c: {  	v2 =	vcombine.low v56, v55;
	v55 =	vld [tilespmem:$0x330];
	v23 =	vperm.xlane v3, v1;
	v13 =	vadd.f32 v42, v13  }
0x4d: {  	v60 =	vld [tilespmem:$0x340];
	v16 =	vmul.f32 v54, v5;
	v54 =	vmul.f32 v43, v9;
	v14 =	vadd.f32 v51, v14  }
0x4e: {  	v56 =	vld [tilespmem:$0x2E0];
	v59 =	vmul.f32 v50, v8;
	v3 =	vadd.f32 v3, v23;
	v13 =	vadd.f32 v22, v13  }
0x4f: {  	v35 =	vld [tilespmem:$0x370];
	v2 =	vand.u32 $0xF, v2;
	v14 =	vadd.f32 v54, v14;
	v22 =	vadd.f32 v58, v57  }
0x50: {  	v42 =	vld [tilespmem:$0x3B0];
	v32 =	vmul.f32 v53, v6;
	v28 =	vperm.xlane v3, v2;
	v13 =	vadd.f32 v16, v13  }
0x51: {  	v58 =	vld [tilespmem:$0x450];
	v21 =	vmul.f32 v55, v9;
	v14 =	vadd.f32 v59, v14;
	v22 =	vadd.f32 v62, v22  }
0x52: {  	v38 =	vld [tilespmem:$0x390];
	v28 =	vadd.f32 v3, v28;
	v3 =	vand.u32 $0xF, v19;
	v19 =	vadd.f32 v37, v36  }
0x53: {  	v16 =	vmul.f32 v56, v7;
	v63 =	vperm.xlane v13, v1;
	v14 =	vadd.f32 v32, v14;
	v36 =	vld [tilespmem:$0x380]  }
0x54: {  	v18 =	vmul.f32 v35, v5;
	v33 =	vld [tilespmem:$0x430];
	v21 =	vadd.f32 v21, v22;
	v19 =	vadd.f32 v40, v19  }
0x55: {  	v34 =	vld [tilespmem:$0x360];
	v42 =	vmul.f32 v42, v9;
	v13 =	vadd.f32 v13, v63;
	v14 =	vadd.f32 v16, v14  }
0x56: {  	v37 =	vunpack.c.l.s4.s8 v31;
	v58 =	vmul.f32 v58, v6;
	v63 =	vld [tilespmem:$0x490];
	v19 =	vadd.f32 v44, v19  }
0x57: {  	v35 =	vld [tilespmem:$0x460];
	v30 =	vperm.xlane v28, v3;
	v25 =	vperm.xlane v13, v2;
	v14 =	vadd.f32 v39, v14  }
0x58: {  	v47 =	vld [tilespmem:$0x3D0];
	v16 =	vmul.f32 v38, v12;
	v22 =	vmul.f32 v36, v11;
	v19 =	vadd.f32 v49, v19  }
0x59: {  	v40 =	vld [tilespmem:$0x3A0];
	v28 =	vadd.f32 v28, v30;
	v46 =	vadd.f32 v13, v25;
	v48 =	vperm.xlane v14, v1  }
0x5a: {  	v53 =	vld [tilespmem:$0x410];
	v44 =	vmul.f32 v34, v7;
	v16 =	vadd.f32 v16, v22;
	v17 =	vadd.f32 v17, v19  }
0x5b: {  	v25 =	vld [tilespmem:$0x4F0];
	v22 =	vmul.f32 v63, v12;
	v19 =	vmul.f32 v60, v8;
	v14 =	vadd.f32 v14, v48  }
0x5c: {  	v57 =	vld [tilespmem:$0x440];
	v49 =	vperm.xlane v46, v3;
	v48 =	vmul.f32 v33, v9;
	v17 =	vadd.f32 v24, v17  }
0x5d: {  	v32 =	vld [tilespmem:$0x420];
	v19 =	vadd.f32 v19, v21;
	v24 =	vunpack.c.0.s8.s32 v37;
	v54 =	vperm.xlane v14, v2  }
0x5e: {  	v39 =	vld [tilespmem:$0x570];
	v23 =	vadd.f32 v46, v49;
	v21 =	vmul.f32 v40, v10;
	v15 =	vadd.f32 v15, v17  }
0x5f: {  	v51 =	vld [tilespmem:$0x400];
	v46 =	vmul.f32 v47, v6;
	v43 =	vadd.f32 v20, v19;
	v14 =	vadd.f32 v14, v54  }
0x60: {  	v30 =	vmul.f32 v25, v5;
	v20 =	vld [tilespmem:$0x3C0];
	v45 =	vcombine.low v24, v29;
	v16 =	vadd.f32 v21, v16  }
0x61: {  	v19 =	vld [tilespmem:$0x3E0];
	v41 =	vperm.xlane v15, v1;
	v17 =	vadd.f32 v44, v43;
	v59 =	vperm.xlane v14, v3  }
0x62: {  	v21 =	vld [tilespmem:$0x4D0];
	v13 =	vand.u32 $0xF, v45;
	v44 =	vmul.f32 v53, v12;
	v45 =	vmul.f32 v32, v10  }
0x63: {  	v62 =	vld [tilespmem:$0x480];
	v16 =	vadd.f32 v42, v16;
	v53 =	vmul.f32 v57, v8;
	v32 =	vmul.f32 v39, v5  }
0x64: {  	v36 =	vld [tilespmem:$0x470];
	v52 =	vperm.xlane v28, v13;
	v56 =	vperm.xlane v23, v13;
	v15 =	vadd.f32 v15, v41  }
0x65: {  	v43 =	vld [tilespmem:$0x4B0];
	v17 =	vadd.f32 v18, v17;
	v14 =	vadd.f32 v14, v59;
	v18 =	vmul.f32 v51, v11  }
0x66: {  	v29 =	vld [tilespmem:$0x3F0];
	v26 =	vadd.f32 v28, v52;
	v20 =	vmul.f32 v20, v8;
	v51 =	vmul.f32 v19, v7  }
0x67: {  	v54 =	vld [tilespmem:$0x520];
	v23 =	vadd.f32 v23, v56;
	v21 =	vmul.f32 v21, v6;
	v50 =	vperm.xlane v15, v2  }
0x68: {  	v41 =	vld [tilespmem:$0x4A0];
	v55 =	vperm.xlane v17, v1;
	v40 =	vperm.xlane v14, v13;
	v18 =	vadd.f32 v44, v18  }
0x69: {  	v52 =	vld [tilespmem:$0x510];
	v26 =	vnsel vm1, $0x0, v26;
	v16 =	vadd.f32 v20, v16;
	v15 =	vadd.f32 v15, v50  }
0x6a: {  	v49 =	vld [tilespmem:$0x500];
	v43 =	vmul.f32 v43, v9;
	v17 =	vadd.f32 v17, v55;
	v14 =	vadd.f32 v14, v40  }
0x6b: {  	v63 =	vld [tilespmem:$0x560];
	v18 =	vadd.f32 v45, v18;
	v55 =	vmul.f32 v29, v5;
	v40 =	vmul.f32 v35, v7  }
0x6c: {  	v56 =	vld [tilespmem:$0x530];
	v23 =	vsel vm6, v26, v23;
	v34 =	vperm.xlane v15, v3;
	v60 =	vperm.xlane v17, v2  }
0x6d: {  	v44 =	vld [tilespmem:$0x590];
	v38 =	vmul.f32 v41, v10;
	v41 =	vmul.f32 v54, v10;
	v18 =	vadd.f32 v48, v18  }
0x6e: {  	v19 =	vmul.f32 v52, v12;
	v48 =	vld [tilespmem:$0x610];
	v15 =	vadd.f32 v15, v34;
	v17 =	vadd.f32 v17, v60  }
0x6f: {  	v24 =	vld [tilespmem:$0x4C0];
	v50 =	vadd.f32 v46, v16;
	v60 =	vmul.f32 v62, v11;
	v62 =	vmul.f32 v49, v11  }
0x70: {  	v42 =	vld [tilespmem:$0x580];
	v57 =	vadd.f32 v53, v18;
	v61 =	vperm.xlane v15, v13;
	v37 =	vperm.xlane v17, v3  }
0x71: {  	v59 =	vld [tilespmem:$0x540];
	v45 =	vmul.f32 v56, v9;
	v16 =	vadd.f32 v22, v60;
	v18 =	vadd.f32 v19, v62  }
0x72: {  	v26 =	vld [tilespmem:$0x4E0];
	v56 =	vmul.f32 v44, v12;
	v15 =	vadd.f32 v15, v61;
	v17 =	vadd.f32 v17, v37  }
0x73: {  	v49 =	vmul.f32 v36, v5;
	v62 =	vld [tilespmem:$0x5D0];
	v12 =	vmul.f32 v48, v12;
	v16 =	vadd.f32 v38, v16  }
0x74: {  	v46 =	vld [tilespmem:$0x600];
	v18 =	vadd.f32 v41, v18;
	v15 =	vsel vm7, v23, v15;
	v47 =	vperm.xlane v17, v13  }
0x75: {  	v61 =	vld [tilespmem:$0x550];
	v16 =	vadd.f32 v43, v16;
	v14 =	vsel vm8, v15, v14;
	v15 =	vadd.f32 v51, v50  }
0x76: {  	v18 =	vadd.f32 v45, v18;
	v51 =	vld [tilespmem:$0x5A0];
	v17 =	vadd.f32 v17, v47;
	v47 =	vmul.f32 v24, v8  }
0x77: {  	v52 =	vld [tilespmem:$0x620];
	v50 =	vmul.f32 v59, v8;
	v59 =	vmul.f32 v26, v7;
	v15 =	vadd.f32 v55, v15  }
0x78: {  	v54 =	vld [tilespmem:$0x5B0];
	v35 =	vmul.f32 v62, v6;
	v55 =	vmul.f32 v42, v11;
	v16 =	vadd.f32 v47, v16  }
0x79: {  	v14 =	vsel vm9, v14, v17;
	v17 =	vadd.f32 v58, v57;
	v57 =	vld [tilespmem:$0x630];
	v37 =	vperm.xlane v15, v1  }
0x7a: {  	v53 =	vmul.f32 v61, v6;
	v11 =	vmul.f32 v46, v11;
	v58 =	vld [tilespmem:$0x5C0];
	v16 =	vadd.f32 v21, v16  }
0x7b: {  	v60 =	vld [tilespmem:$0x640];
	v21 =	vadd.f32 v56, v55;
	v20 =	vmul.f32 v51, v10;
	v15 =	vadd.f32 v15, v37  }
0x7c: {  	v28 =	vld [tilespmem:$0x650];
	v61 =	vmul.f32 v63, v7;
	v11 =	vadd.f32 v12, v11;
	v10 =	vmul.f32 v52, v10  }
0x7d: {  	v33 =	vld [tilespmem:$0x5F0];
	v63 =	vmul.f32 v54, v9;
	v20 =	vadd.f32 v20, v21;
	v31 =	vperm.xlane v15, v2  }
0x7e: {  	v29 =	vld [tilespmem:$0x5E0];
	v18 =	vadd.f32 v50, v18;
	v10 =	vadd.f32 v10, v11;
	v9 =	vmul.f32 v57, v9  }
0x7f: {  	v19 =	vmul.f32 v58, v8;
	v20 =	vadd.f32 v63, v20;
	v15 =	vadd.f32 v15, v31;
	v31 =	vld [tilespmem:$0x660]  }
0x80: {  	v36 =	vld [tilespmem:$0x670];
	v18 =	vadd.f32 v53, v18;
	v8 =	vmul.f32 v60, v8;
	v9 =	vadd.f32 v9, v10  }
0x81: {  	v6 =	vmul.f32 v28, v6;
	v17 =	vadd.f32 v40, v17;
	v34 =	vadd.f32 v19, v20  }
0x82: {  	v40 =	vmul.f32 v33, v5;
	v12 =	vadd.f32 v61, v18;
	v8 =	vadd.f32 v8, v9  }
0x83: {  	v16 =	vadd.f32 v59, v16;
	v11 =	vmul.f32 v29, v7;
	v37 =	vadd.f32 v35, v34  }
0x84: {  	v17 =	vadd.f32 v49, v17;
	v6 =	vadd.f32 v6, v8;
	v7 =	vmul.f32 v31, v7  }
0x85: {  	v5 =	vmul.f32 v36, v5;
	v16 =	vadd.f32 v30, v16;
	v38 =	vadd.f32 v11, v37  }
0x86: {  	v39 =	vperm.xlane v17, v1;
	v10 =	vadd.f32 v32, v12;
	v6 =	vadd.f32 v7, v6  }
0x87: {  	vm13 =	vcmask $0x1F2C;
	v41 =	vperm.xlane v16, v1;
	v8 =	vadd.f32 v40, v38  }
0x88: {  	v9 =	vadd.f32 v17, v39;
	v43 =	vperm.xlane v10, v1;
	v5 =	vadd.f32 v5, v6  }
0x89: {  	v4 =	vand.u32 $0x1, v4;
	v7 =	vadd.f32 v16, v41;
	v46 =	vperm.xlane v8, v1  }
0x8a: {  	v45 =	vperm.xlane v9, v2;
	v10 =	vadd.f32 v10, v43;
	v47 =	vperm.xlane v5, v1  }
0x8b: {  	v4 =	vcvt.s32.f32 v4;
	v16 =	vperm.xlane v7, v2;
	v8 =	vadd.f32 v8, v46  }
0x8c: {  	v9 =	vadd.f32 v9, v45;
	v49 =	vperm.xlane v10, v2;
	v5 =	vadd.f32 v5, v47  }
0x8d: {  	v42 =	vperm.xlane v15, v3;
	v7 =	vadd.f32 v7, v16;
	v51 =	vperm.xlane v8, v2  }
0x8e: {  	v50 =	vperm.xlane v9, v3;
	v10 =	vadd.f32 v10, v49;
	v52 =	vperm.xlane v5, v2  }
0x8f: {  	v44 =	vadd.f32 v15, v42;
	v16 =	vperm.xlane v7, v3;
	v8 =	vadd.f32 v8, v51  }
0x90: {  	v9 =	vadd.f32 v9, v50;
	v53 =	vperm.xlane v10, v3;
	v5 =	vadd.f32 v5, v52  }
0x91: {  	v48 =	vperm.xlane v44, v13;
	v7 =	vadd.f32 v7, v16;
	v55 =	vperm.xlane v8, v3  }
0x92: {  	v54 =	vperm.xlane v9, v13;
	v10 =	vadd.f32 v10, v53;
	v57 =	vperm.xlane v5, v3  }
0x93: {  	v6 =	vadd.f32 v44, v48;
	v56 =	vperm.xlane v7, v13;
	v8 =	vadd.f32 v8, v55  }
0x94: {  	v9 =	vadd.f32 v9, v54;
	v58 =	vperm.xlane v10, v13;
	v5 =	vadd.f32 v5, v57  }
0x95: {  	v6 =	vsel vm10, v14, v6;
	v7 =	vadd.f32 v7, v56;
	v59 =	vperm.xlane v8, v13  }
0x96: {  	v6 =	vsel vm11, v6, v9;
	v60 =	vadd.f32 v10, v58;
	v61 =	vperm.xlane v5, v13  }
0x97: {  	v4 =	vadd.f32 v4, v4;
	v6 =	vsel vm12, v6, v7;
	v8 =	vadd.f32 v8, v59  }
0x98: {  	vm14 =	vcmask $0x232C;
	v6 =	vsel vm13, v6, v60;
	v5 =	vadd.f32 v5, v61  }
0x99: {  	vm15 =	vcmask $0x272C;
	v4 =	vsub.f32 $1.000000000e+00, v4;
	v6 =	vsel vm14, v6, v8  }
0x9a: {  	v5 =	vsel vm15, v6, v5  }
0x9b: {  	v4 =	vmul.f32 v5, v4;
	_ =	sdelay $0x1  }
0x9c: {  	v5 =	vand.u32 $0x7FFFFFFF, v4  }
0x9d: {  	v5 =	vsub.f32 $0.0e+00, v5;
	_ =	sdelay $0x1  }
0x9e: {  	v5 =	vmul.f32 $1.442695020e+00, v5;
	_ =	sdelay $0x1  }
0x9f: {  	(erf) = vpow2.f32 v5;
	_ =	sdelay $0x8  }
0xa0: {  	v5 =	vpop (erf)  }
0xa1: {  	v5 =	vadd.f32 $1.000000000e+00, v5;
	_ =	sdelay $0x1  }
0xa2: {  	v62 =	vand.u32 $0x7FFFFF, v5  }
0xa3: {  	v6 =	vor.u32 $0x3F800000, v62  }
0xa4: {  	v63 =	vadd.f32 $1.000000000e+00, v6;
	_ =	sdelay $0x1  }
0xa5: {  	(erf) = vrcp.f32 v63;
	_ =	sdelay $0x7  }
0xa6: {  	v6 =	vadd.f32 $-1.000000000e+00, v6  }
0xa7: {  	v7 =	vpop (erf)  }
0xa8: {  	v6 =	vmul.f32 v7, v6;
	_ =	sdelay $0x1  }
0xa9: {  	v7 =	vmul.f32 v6, v6;
	_ =	sdelay $0x1  }
0xaa: {  	v0 =	vmul.f32 v7, v0;
	_ =	sdelay $0x1  }
0xab: {  	v0 =	vadd.f32 $1.428571490e-01, v0;
	_ =	sdelay $0x1  }
0xac: {  	v0 =	vmul.f32 v0, v7;
	_ =	sdelay $0x1  }
0xad: {  	v0 =	vadd.f32 $2.000000030e-01, v0;
	_ =	sdelay $0x1  }
0xae: {  	v0 =	vmul.f32 v0, v7;
	_ =	sdelay $0x1  }
0xaf: {  	v0 =	vadd.f32 $3.333333430e-01, v0;
	_ =	sdelay $0x1  }
0xb0: {  	v5 =	vshrl.u32 v5, $0x17;
	v0 =	vmul.f32 v0, v7  }
0xb1: {  	v5 =	vadd.s32 $0xFFFFFF81, v5  }
0xb2: {  	v5 =	vcvt.s32.f32 v5;
	v6 =	vadd.f32 v6, v6;
	v0 =	vadd.f32 $1.000000000e+00, v0;
	_ =	sdelay $0x1  }
0xb3: {  	v5 =	vmul.f32 $6.931471820e-01, v5;
	v0 =	vmul.f32 v0, v6;
	_ =	sdelay $0x1  }
0xb4: {  	v0 =	vadd.f32 v0, v5  }
0xb5: {  	v4 =	vmax.f32 v4, $0.0e+00  }
0xb6: {  	v0 =	vadd.f32 v0, v4;
	_ =	sdelay $0x1  }
0xb7: {  	v0 =	vnsel vm0, $0x0, v0  }
0xb8: {  	v1 =	vperm.xlane v0, v1;
	_ =	sdelay $0x1  }
0xb9: {  	v0 =	vadd.f32 v0, v1;
	_ =	sdelay $0x1  }
0xba: {  	v1 =	vperm.xlane v0, v2;
	_ =	sdelay $0x1  }
0xbb: {  	v0 =	vadd.f32 v0, v1;
	_ =	sdelay $0x1  }
0xbc: {  	v1 =	vperm.xlane v0, v3;
	_ =	sdelay $0x1  }
0xbd: {  	v0 =	vadd.f32 v0, v1;
	_ =	sdelay $0x1  }
0xbe: {  	v1 =	vperm.xlane v0, v13;
	_ =	sdelay $0x1  }
0xbf: {  	v0 =	vadd.f32 v0, v1;
	_ =	sdelay $0x1  }
0xc0: {  	s31 =	simm.s32 $0xD00;
	[tilespmem:$0xD00] =	vst v0  }
0xc1: {  	[hbm4b:s1+s24] =	stream.linear.scatter [tilespmem:s31], [sflag:$0x2], $0x1, $0x38;
	[tilespmem:$0xD80] =	vst v63  }
0xc2: {  	_ =	swait.ge [sflag:s25], $0x1  }
0xc3: {  	[sflag:s25] =	ssyncset.done $0x0  }
0xc4: {  	[sflag:s25] =	ssyncadd.s32 $0xFFFFFFFF  }
.LBB2_2:
0xc5: {  	_ =	sfence.sel $0x180000  }
0xc6: {  	[bflag:$0x0] =	sbarrier.arrive $0xFFFF  }
0xc7: {  	_ =	strace $0x90000047  }
0xc8: {  	s0 =	sadd.s32 @!p0 $0x100000, s0;
	[bflag:$0x2] =	sbarrier.arrive $0xFFFF  }
0xc9: {  	[sflag:s0] =	ssyncadd.tile.s32 @!p0 $0x1;
	_ =	shalt  }
.Lfunc_end2:
_tile_overlayer_lowered:
.L_overlay_start_2:
0xca: {  	(tag) =	ssettag $0x2  }
0xcb: {  	s0 =	rddreg [dreg:$0x0];
	s2 =	stileid.u32  }
0xcc: {  	s1 =	rddreg [dreg:$0x1];
	p0 =	sne.s32 s2, $0x0  }
0xcd: {  	s3 =	rddreg [dreg:$0x2];
	[bflag:$0x3] =	sbarrier.arrive $0xFFFF;
	s2 =	simm.s32 @!p0 $0x1C02  }
0xce: {  	[timem:s3], [sflag:s2] =	dma.local @!p0 [hbm:s0], s1  }
0xcf: {  	s0 =	simm.s32 @!p0 $0x2  }
0xd0: {  	_ =	swait.ge @!p0 [sflag:s0], s1  }
0xd1: {  	s1 =	ssub.s32 @!p0 $0x0, s1;
	[sflag:s0] =	ssyncset.done @!p0 $0x0  }
0xd2: {  	[sflag:s0] =	ssyncadd.s32 @!p0 s1  }
0xd3: {  	[bflag:$0x3] =	sbarrier.arrive $0xFFFF  }
0xd4: {  	_ =	shalt  }

</sc_bundles>
